<compile_context>
chip_gen: v7x
topology: tpu7x:2x2x1
jax: 0.10.2.dev20260603
libtpu: 0.0.44.dev20260713+nightly
codegen_flags: <defaults>
</compile_context>

<pallas_src>
import functools

import jax
import jax.numpy as jnp
from jax import lax
from jax.experimental import pallas as pl
from jax.experimental.pallas import tpu as pltpu
from jax.experimental.pallas import tpu_sc as plsc

B = 8
M = 8192
D_FEAT = 64
S = 512
N_MAX = 64
EPS = 1e-5
N = B * M

T_STAT = 2048
T_SCORE = 1024

_HI = 1 << 30


def _dot(a, b):
    return jnp.dot(a, b)


def _bn_relu(y, mean_ref, var_ref, g_ref, be_ref):
    xh = (y - mean_ref[...]) / jnp.sqrt(var_ref[...] + EPS)
    return jnp.maximum(xh * g_ref[...] + be_ref[...], 0.0)


def _acc_stats(j, nt, y, s_acc, ss_acc, mean_ref, var_ref):
    @pl.when(j == 0)
    def _():
        s_acc[...] = jnp.zeros_like(s_acc)
        ss_acc[...] = jnp.zeros_like(ss_acc)

    s_acc[...] += jnp.sum(y, axis=1, keepdims=True)
    ss_acc[...] += jnp.sum(y * y, axis=1, keepdims=True)

    @pl.when(j == nt - 1)
    def _():
        mean = s_acc[...] * (1.0 / N)
        mean_ref[...] = mean
        var_ref[...] = ss_acc[...] * (1.0 / N) - mean * mean


def _p0_body(x_ref, W0_ref, b0_ref, mean0_ref, var0_ref, s_acc, ss_acc):
    j = pl.program_id(0)
    nt = pl.num_programs(0)
    y0 = _dot(W0_ref[...], x_ref[...]) + b0_ref[...]
    _acc_stats(j, nt, y0, s_acc, ss_acc, mean0_ref, var0_ref)


def _p1_body(x_ref, W0_ref, b0_ref, mean0_ref, var0_ref, g0_ref, be0_ref,
             W1_ref, b1_ref, mean1_ref, var1_ref, s_acc, ss_acc):
    j = pl.program_id(0)
    nt = pl.num_programs(0)
    x = x_ref[...]
    y0 = _dot(W0_ref[...], x) + b0_ref[...]
    a1 = _bn_relu(y0, mean0_ref, var0_ref, g0_ref, be0_ref)
    y1 = _dot(W1_ref[...], a1) + b1_ref[...]
    _acc_stats(j, nt, y1, s_acc, ss_acc, mean1_ref, var1_ref)


def _p2_body(x_ref, W0_ref, b0_ref, mean0_ref, var0_ref, g0_ref, be0_ref,
             W1_ref, b1_ref, mean1_ref, var1_ref, g1_ref, be1_ref,
             W2_ref, b2_ref, mean2_ref, var2_ref, s_acc, ss_acc):
    j = pl.program_id(0)
    nt = pl.num_programs(0)
    x = x_ref[...]
    y0 = _dot(W0_ref[...], x) + b0_ref[...]
    a1 = _bn_relu(y0, mean0_ref, var0_ref, g0_ref, be0_ref)
    y1 = _dot(W1_ref[...], a1) + b1_ref[...]
    a2 = _bn_relu(y1, mean1_ref, var1_ref, g1_ref, be1_ref)
    y2 = _dot(W2_ref[...], a2) + b2_ref[...]
    _acc_stats(j, nt, y2, s_acc, ss_acc, mean2_ref, var2_ref)


def _p3_body(x_ref, W0_ref, b0_ref, mean0_ref, var0_ref, g0_ref, be0_ref,
             W1_ref, b1_ref, mean1_ref, var1_ref, g1_ref, be1_ref,
             W2_ref, b2_ref, mean2_ref, var2_ref, g2_ref, be2_ref,
             W3_ref, b3_ref, q_ref):
    x = x_ref[...]
    y0 = _dot(W0_ref[...], x) + b0_ref[...]
    a1 = _bn_relu(y0, mean0_ref, var0_ref, g0_ref, be0_ref)
    y1 = _dot(W1_ref[...], a1) + b1_ref[...]
    a2 = _bn_relu(y1, mean1_ref, var1_ref, g1_ref, be1_ref)
    y2 = _dot(W2_ref[...], a2) + b2_ref[...]
    a3 = _bn_relu(y2, mean2_ref, var2_ref, g2_ref, be2_ref)
    sc = _dot(W3_ref[...], a3) + b3_ref[...]
    q = jax.nn.sigmoid(sc)
    q_ref[...] = q[None]


R_TOPK = 8


def _topk_body(q_ref, idx_ref, w_ref):
    i = pl.program_id(0)
    b = (i * R_TOPK) // S
    w_ref[...] = q_ref[...]
    iota = lax.broadcasted_iota(jnp.int32, (R_TOPK, M), 1)
    kiota = lax.broadcasted_iota(jnp.int32, (R_TOPK, N_MAX), 1)

    def it(k, res):
        v = w_ref[...]
        m = jnp.max(v, axis=1, keepdims=True)
        cand = jnp.where(v == m, iota, _HI)
        sel = jnp.min(cand, axis=1, keepdims=True)
        w_ref[...] = jnp.where(iota == sel, -1.0, v)
        return jnp.where(kiota == k, sel, res)

    res = lax.fori_loop(0, N_MAX, it,
                        jnp.zeros((R_TOPK, N_MAX), jnp.int32))
    idx_ref[...] = res + b * M


def _scores_q(coordinate, W0, b0, g0, be0, W1, b1, g1, be1, W2, b2, g2, be2,
              W3, b3):
    f32 = jnp.float32
    xt = coordinate.reshape(N, 3).T
    xt = jnp.pad(xt, ((0, 5), (0, 0)))
    W0p = jnp.pad(W0, ((0, 0), (0, 5)))
    cvec = lambda v: v.reshape(-1, 1)
    b0c, g0c, be0c = cvec(b0), cvec(g0), cvec(be0)
    b1c, g1c, be1c = cvec(b1), cvec(g1), cvec(be1)
    b2c, g2c, be2c = cvec(b2), cvec(g2), cvec(be2)
    b3c = cvec(b3)

    full = lambda shape: pl.BlockSpec(shape, lambda j: (0,) * len(shape))
    xspec = lambda t: pl.BlockSpec((8, t), lambda j: (0, j))
    sd = jax.ShapeDtypeStruct

    nt = N // T_STAT
    mean0, var0 = pl.pallas_call(
        _p0_body,
        grid=(nt,),
        in_specs=[xspec(T_STAT), full((32, 8)), full((32, 1))],
        out_specs=[full((32, 1)), full((32, 1))],
        out_shape=[sd((32, 1), f32), sd((32, 1), f32)],
        scratch_shapes=[pltpu.VMEM((32, 1), f32), pltpu.VMEM((32, 1), f32)],
    )(xt, W0p, b0c)

    mean1, var1 = pl.pallas_call(
        _p1_body,
        grid=(nt,),
        in_specs=[xspec(T_STAT), full((32, 8)), full((32, 1)),
                  full((32, 1)), full((32, 1)), full((32, 1)), full((32, 1)),
                  full((64, 32)), full((64, 1))],
        out_specs=[full((64, 1)), full((64, 1))],
        out_shape=[sd((64, 1), f32), sd((64, 1), f32)],
        scratch_shapes=[pltpu.VMEM((64, 1), f32), pltpu.VMEM((64, 1), f32)],
    )(xt, W0p, b0c, mean0, var0, g0c, be0c, W1, b1c)

    mean2, var2 = pl.pallas_call(
        _p2_body,
        grid=(nt,),
        in_specs=[xspec(T_STAT), full((32, 8)), full((32, 1)),
                  full((32, 1)), full((32, 1)), full((32, 1)), full((32, 1)),
                  full((64, 32)), full((64, 1)),
                  full((64, 1)), full((64, 1)), full((64, 1)), full((64, 1)),
                  full((256, 64)), full((256, 1))],
        out_specs=[full((256, 1)), full((256, 1))],
        out_shape=[sd((256, 1), f32), sd((256, 1), f32)],
        scratch_shapes=[pltpu.VMEM((256, 1), f32), pltpu.VMEM((256, 1), f32)],
    )(xt, W0p, b0c, mean0, var0, g0c, be0c, W1, b1c, mean1, var1, g1c, be1c,
      W2, b2c)

    mpt = M // T_SCORE
    q = pl.pallas_call(
        _p3_body,
        grid=(N // T_SCORE,),
        in_specs=[xspec(T_SCORE), full((32, 8)), full((32, 1)),
                  full((32, 1)), full((32, 1)), full((32, 1)), full((32, 1)),
                  full((64, 32)), full((64, 1)),
                  full((64, 1)), full((64, 1)), full((64, 1)), full((64, 1)),
                  full((256, 64)), full((256, 1)),
                  full((256, 1)), full((256, 1)), full((256, 1)), full((256, 1)),
                  full((S, 256)), full((S, 1))],
        out_specs=pl.BlockSpec((1, S, T_SCORE),
                               lambda j: (j // mpt, 0, j % mpt)),
        out_shape=sd((B, S, M), f32),
    )(xt, W0p, b0c, mean0, var0, g0c, be0c, W1, b1c, mean1, var1, g1c, be1c,
      W2, b2c, mean2, var2, g2c, be2c, W3, b3c)
    return q


def _topk_idx(q):
    q2 = q.reshape(B * S, M)
    return pl.pallas_call(
        _topk_body,
        grid=(B * S // R_TOPK,),
        in_specs=[pl.BlockSpec((R_TOPK, M), lambda i: (i, 0))],
        out_specs=pl.BlockSpec((R_TOPK, N_MAX), lambda i: (i, 0)),
        out_shape=jax.ShapeDtypeStruct((B * S, N_MAX), jnp.int32),
        scratch_shapes=[pltpu.VMEM((R_TOPK, M), jnp.float32)],
    )(q2)


_ROWS = B * S * N_MAX
_NC, _NS = 2, 16
_NW = _NC * _NS
_RPW = _ROWS // _NW
_CH = 512
_TW = 128


def _gather_sc_body(tab_hbm, idx_hbm, out_hbm, idx_v, row_v, sem):
    wid = lax.axis_index("s") * _NC + lax.axis_index("c")
    base = wid * _RPW

    def chunk(ci, carry):
        off = base + ci * _CH
        pltpu.sync_copy(idx_hbm.at[pl.ds(off, _CH)], idx_v)
        pltpu.async_copy(tab_hbm.at[idx_v], row_v, sem).wait()
        pltpu.sync_copy(row_v, out_hbm.at[pl.ds(off, _CH)])
        return carry

    lax.fori_loop(0, _RPW // _CH, chunk, 0)


@functools.lru_cache(maxsize=1)
def _make_gather_sc():
    return pl.kernel(
        _gather_sc_body,
        out_type=jax.ShapeDtypeStruct((_ROWS, _TW), jnp.float32),
        mesh=plsc.VectorSubcoreMesh(core_axis_name="c", subcore_axis_name="s"),
        scratch_types=[pltpu.VMEM((_CH,), jnp.int32),
                       pltpu.VMEM((_CH, _TW), jnp.float32),
                       pltpu.SemaphoreType.DMA],
    )


def _gather_sc(table, gidx_flat):
    return _make_gather_sc()(table, gidx_flat)


def kernel(coordinate, feature, W0, b0, g0, be0, W1, b1, g1, be1,
           W2, b2, g2, be2, W3, b3):
    q = _scores_q(coordinate, W0, b0, g0, be0, W1, b1, g1, be1,
                  W2, b2, g2, be2, W3, b3)
    gidx = _topk_idx(q)

    table = jnp.pad(
        jnp.concatenate([feature.reshape(N, D_FEAT),
                         coordinate.reshape(N, 3)], axis=1),
        ((0, 0), (0, _TW - D_FEAT - 3)))
    rows = _gather_sc(table, gidx.reshape(_ROWS))

    gf = rows[:, :D_FEAT].reshape(B, S, N_MAX, D_FEAT)
    gp = rows[:, D_FEAT:D_FEAT + 3].reshape(B, S, N_MAX, 3)
    gp32 = gp[:, :, :32, :]
    gf32 = gf[:, :, :32, :]
    sampled_points = gp[:, :, 0, :]
    sampled_feature = gf[:, :, 0, :]
    return (sampled_points, gp32, gp, sampled_feature, gf32, gf)

# --- scband reference (transcript-rebuilt; emitter-appended) ---
"""Pipeline reference for scband-point-sampling-net-msg-14637248545010 (READ-ONLY COPY).

The authoritative reference and input builder live on the scoring server;
editing this copy changes nothing except your own understanding.
"""

import jax, jax.numpy as jnp
import numpy as np

B, M, D_FEAT = 8, 8192, 64
S = 512
MSG_N = [32, 64]
MLP = [32, 64, 256]
N_MAX = max(MSG_N)
EPS = 1e-5


def setup_inputs(seed: int = 0) -> dict:
    key = jax.random.key(seed)
    ks = jax.random.split(key, 12)
    inp = {}
    inp['coordinate'] = jax.random.normal(ks[0], (B, M, 3), dtype=jnp.float32)
    inp['feature'] = jax.random.normal(ks[1], (B, M, D_FEAT), dtype=jnp.float32)
    # conv1d (kernel_size=1) weights: W[out,in], b[out]; BN affine params
    dims = [3] + MLP  # [3, 32, 64, 256]
    for i in range(3):
        inp[f'W{i}'] = jax.random.normal(ks[2 + i], (dims[i + 1], dims[i]), dtype=jnp.float32) * (1.0 / np.sqrt(dims[i]))
        inp[f'b{i}'] = jnp.zeros((dims[i + 1],), dtype=jnp.float32)
        inp[f'g{i}'] = jnp.ones((dims[i + 1],), dtype=jnp.float32)
        inp[f'be{i}'] = jnp.zeros((dims[i + 1],), dtype=jnp.float32)
    inp['W3'] = jax.random.normal(ks[10], (S, MLP[-1]), dtype=jnp.float32) * (1.0 / np.sqrt(MLP[-1]))
    inp['b3'] = jnp.zeros((S,), dtype=jnp.float32)
    return inp


def _conv1d(x, W, b):
    # x: [B, Cin, M], W: [Cout, Cin]
    return jnp.einsum('oi,bim->bom', W, x) + b[None, :, None]


def _bn(x, g, be):
    # training-mode batchnorm over (batch, spatial) per channel
    mean = jnp.mean(x, axis=(0, 2), keepdims=True)
    var = jnp.var(x, axis=(0, 2), keepdims=True)
    xh = (x - mean) / jnp.sqrt(var + EPS)
    return xh * g[None, :, None] + be[None, :, None]


def _index_points(points, idx):
    # points: [B, M, C]; idx: [B, S, n] -> [B, S, n, C]
    return jax.vmap(lambda pts, ii: pts[ii])(points, idx)


def reference(coordinate, feature, W0, b0, g0, be0, W1, b1, g1, be1, W2, b2, g2, be2, W3, b3):
    x = jnp.transpose(coordinate, (0, 2, 1))  # [B, 3, M]
    x = jax.nn.relu(_bn(_conv1d(x, W0, b0), g0, be0))
    x = jax.nn.relu(_bn(_conv1d(x, W1, b1), g1, be1))
    x = jax.nn.relu(_bn(_conv1d(x, W2, b2), g2, be2))
    x = _conv1d(x, W3, b3)  # [B, S, M]
    Q = jax.nn.sigmoid(x)
    indices = jnp.argsort(-Q, axis=2)  # descending sort along point axis
    grouped_indices = indices[:, :, :N_MAX]  # [B, S, N_MAX]
    gp = _index_points(coordinate, grouped_indices)  # [B, S, N_MAX, 3]
    gf = _index_points(feature, grouped_indices)  # [B, S, N_MAX, D_FEAT]
    grouped_points_msg = [gp[:, :, :n, :] for n in MSG_N]
    grouped_feature_msg = [gf[:, :, :n, :] for n in MSG_N]
    # train=False branch
    sampled_points = grouped_points_msg[0][:, :, 0, :]
    sampled_feature = grouped_feature_msg[-1][:, :, 0, :]
    return (sampled_points, grouped_points_msg[0], grouped_points_msg[1], sampled_feature, grouped_feature_msg[0], grouped_feature_msg[1])

if __name__ == "__main__":
    import jax
    _d = setup_inputs()
    print(jax.jit(kernel)(*tuple(_d.values())))

</pallas_src>

<mosaic_0001>
#map = affine_map<(d0, d1) -> (0, 0)>
#map1 = affine_map<(d0, d1) -> (0)>
module attributes {stable_mosaic.version = 14 : i64} {
  func.func @_gather_sc_body(%arg0: i32, %arg1: i32, %arg2: memref<65536x128xf32, #tpu.memory_space<hbm>>, %arg3: memref<262144xi32, #tpu.memory_space<hbm>>, %arg4: memref<262144x128xf32, #tpu.memory_space<hbm>>, %arg5: memref<512xi32, #tpu.memory_space<vmem>>, %arg6: memref<512x128xf32, #tpu.memory_space<vmem>>, %arg7: memref<!tpu.dma_semaphore, #tpu.memory_space<semaphore_mem>>) attributes {dimension_semantics = [#tpu.dimension_semantics<core_parallel>, #tpu.dimension_semantics<subcore_parallel>], iteration_bounds = array<i64: 2, 16>, scalar_prefetch = 0 : i64, scratch_operands = 3 : i64, tpu.core_type = #tpu.core_type<sc_vector_subcore>, window_params = [{transform_indices = #map}, {transform_indices = #map1}, {transform_indices = #map}]} {
    %mul3A = arith.constant 2 : i32
    %mul3A_0 = arith.muli %arg1, %mul3A : i32
    %add3A = arith.addi %mul3A_0, %arg0 : i32
    %mul3A_1 = arith.constant 8192 : i32
    %mul3A_2 = arith.muli %add3A, %mul3A_1 : i32
    %scan3A = arith.constant 0 : i32
    %scan3A_3 = arith.constant 0 : i32
    %scan3A_4 = arith.constant 16 : i32
    %scan3A_5 = arith.addi %scan3A_3, %scan3A_4 : i32
    %scan3A_6 = arith.constant 1 : i32
    scf.for %scan3A_8 = %scan3A_3 to %scan3A_5 step %scan3A_6  : i32 {
      %mul3A_9 = arith.constant 512 : i32
      %mul3A_10 = arith.muli %scan3A_8, %mul3A_9 : i32
      %add3A_11 = arith.addi %mul3A_2, %mul3A_10 : i32
      "tpu.region"() ({
        %run_scoped3A = tpu.sem_alloc : memref<!tpu.dma_semaphore, #tpu.memory_space<semaphore_mem>>
        %dma_start3A_16 = tpu.memref_slice %arg3[%add3A_11] : memref<262144xi32, #tpu.memory_space<hbm>> -> memref<512xi32, #tpu.memory_space<hbm>>
        %dma_start3A_17 = tpu.memref_slice %arg3[%add3A_11] : memref<262144xi32, #tpu.memory_space<hbm>> -> memref<512xi32, #tpu.memory_space<hbm>>
        tpu.enqueue_dma source(%dma_start3A_17 : memref<512xi32, #tpu.memory_space<hbm>>) target(%arg5 : memref<512xi32, #tpu.memory_space<vmem>>) target_semaphore(%run_scoped3A : memref<!tpu.dma_semaphore, #tpu.memory_space<semaphore_mem>>)
        %dma_wait3A_18 = tpu.memref_slice %arg3[%add3A_11] : memref<262144xi32, #tpu.memory_space<hbm>> -> memref<512xi32, #tpu.memory_space<hbm>>
        %dma_wait3A_19 = tpu.memref_slice %arg3[%add3A_11] : memref<262144xi32, #tpu.memory_space<hbm>> -> memref<512xi32, #tpu.memory_space<hbm>>
        tpu.wait_dma2 semaphore(%run_scoped3A : memref<!tpu.dma_semaphore, #tpu.memory_space<semaphore_mem>>) src(%dma_wait3A_19 : memref<512xi32, #tpu.memory_space<hbm>>) dst(%arg5 : memref<512xi32, #tpu.memory_space<vmem>>)
        tpu.yield
      }) : () -> ()
      %dma_start3A = arith.constant 0 : i32
      %dma_start3A_12 = arith.constant 0 : i32
      %dma_start3A_13 = tpu.memref_slice %arg2[%dma_start3A, %dma_start3A_12] : memref<65536x128xf32, #tpu.memory_space<hbm>> -> memref<65536x128xf32, #tpu.memory_space<hbm>>
      tpu.enqueue_indirect_dma source(%dma_start3A_13 : memref<65536x128xf32, #tpu.memory_space<hbm>>) target(%arg6 : memref<512x128xf32, #tpu.memory_space<vmem>>) offsets(%arg5 : memref<512xi32, #tpu.memory_space<vmem>>) semaphore(%arg7 : memref<!tpu.dma_semaphore, #tpu.memory_space<semaphore_mem>>)
      %dma_wait3A = arith.constant 0 : i32
      %dma_wait3A_14 = arith.constant 0 : i32
      %dma_wait3A_15 = tpu.memref_slice %arg2[%dma_wait3A, %dma_wait3A_14] : memref<65536x128xf32, #tpu.memory_space<hbm>> -> memref<65536x128xf32, #tpu.memory_space<hbm>>
      tpu.wait_indirect_dma semaphore(%arg7 : memref<!tpu.dma_semaphore, #tpu.memory_space<semaphore_mem>>) src(%dma_wait3A_15 : memref<65536x128xf32, #tpu.memory_space<hbm>>) dst(%arg6 : memref<512x128xf32, #tpu.memory_space<vmem>>)
      "tpu.region"() ({
        %run_scoped3A = tpu.sem_alloc : memref<!tpu.dma_semaphore, #tpu.memory_space<semaphore_mem>>
        %dma_start3A_16 = arith.constant 0 : i32
        %dma_start3A_17 = tpu.memref_slice %arg4[%add3A_11, %dma_start3A_16] : memref<262144x128xf32, #tpu.memory_space<hbm>> -> memref<512x128xf32, #tpu.memory_space<hbm>>
        %dma_start3A_18 = arith.constant 0 : i32
        %dma_start3A_19 = tpu.memref_slice %arg4[%add3A_11, %dma_start3A_18] : memref<262144x128xf32, #tpu.memory_space<hbm>> -> memref<512x128xf32, #tpu.memory_space<hbm>>
        tpu.enqueue_dma source(%arg6 : memref<512x128xf32, #tpu.memory_space<vmem>>) target(%dma_start3A_19 : memref<512x128xf32, #tpu.memory_space<hbm>>) target_semaphore(%run_scoped3A : memref<!tpu.dma_semaphore, #tpu.memory_space<semaphore_mem>>)
        %dma_wait3A_20 = arith.constant 0 : i32
        %dma_wait3A_21 = tpu.memref_slice %arg4[%add3A_11, %dma_wait3A_20] : memref<262144x128xf32, #tpu.memory_space<hbm>> -> memref<512x128xf32, #tpu.memory_space<hbm>>
        %dma_wait3A_22 = arith.constant 0 : i32
        %dma_wait3A_23 = tpu.memref_slice %arg4[%add3A_11, %dma_wait3A_22] : memref<262144x128xf32, #tpu.memory_space<hbm>> -> memref<512x128xf32, #tpu.memory_space<hbm>>
        tpu.wait_dma2 semaphore(%run_scoped3A : memref<!tpu.dma_semaphore, #tpu.memory_space<semaphore_mem>>) src(%arg6 : memref<512x128xf32, #tpu.memory_space<vmem>>) dst(%dma_wait3A_23 : memref<512x128xf32, #tpu.memory_space<hbm>>)
        tpu.yield
      }) : () -> ()
    }
    %scan3A_7 = arith.constant 16 : i32
    return
  }
}

module attributes {stable_mosaic.version = 14 : i64} {
  func.func @_p0_body(%arg0: i32, %arg1: memref<8x2048xf32, #tpu.memory_space<vmem>>, %arg2: memref<32x8xf32, #tpu.memory_space<vmem>>, %arg3: memref<32x1xf32, #tpu.memory_space<vmem>>, %arg4: memref<32x1xf32, #tpu.memory_space<vmem>>, %arg5: memref<32x1xf32, #tpu.memory_space<vmem>>, %arg6: memref<32x1xf32, #tpu.memory_space<vmem>>, %arg7: memref<32x1xf32, #tpu.memory_space<vmem>>) attributes {dimension_semantics = [#tpu.dimension_semantics<arbitrary>], iteration_bounds = array<i64: 32>, scalar_prefetch = 0 : i64, scratch_operands = 2 : i64, tpu.core_type = #tpu.core_type<tc>, window_params = [{transform_indices = @transform_0, window_bounds = array<i64: 8, 2048>}, {pipeline_mode = #tpu.pipeline_mode<synchronous>, transform_indices = @transform_1, window_bounds = array<i64: 32, 8>}, {pipeline_mode = #tpu.pipeline_mode<synchronous>, transform_indices = @transform_2, window_bounds = array<i64: 32, 1>}, {pipeline_mode = #tpu.pipeline_mode<synchronous>, transform_indices = @transform_3, window_bounds = array<i64: 32, 1>}, {pipeline_mode = #tpu.pipeline_mode<synchronous>, transform_indices = @transform_4, window_bounds = array<i64: 32, 1>}]} {
    %get3A = arith.constant 0 : index
    %get3A_0 = arith.constant 0 : index
    %get3A_1 = vector.load %arg2[%get3A, %get3A_0] : memref<32x8xf32, #tpu.memory_space<vmem>>, vector<32x8xf32>
    %get3A_2 = arith.constant 0 : index
    %get3A_3 = arith.constant 0 : index
    %get3A_4 = vector.load %arg1[%get3A_2, %get3A_3] : memref<8x2048xf32, #tpu.memory_space<vmem>>, vector<8x2048xf32>
    %dot_general3A = arith.constant dense<0.000000e+00> : vector<32x2048xf32>
    %dot_general3A_5 = tpu.matmul %get3A_1, %get3A_4, %dot_general3A {dimension_numbers = #tpu.dot_dimension_numbers<[1], [0], [0], [1], [0, 0, 1, 1], [], []>, transpose_lhs_hint = false} : vector<32x8xf32>, vector<8x2048xf32>, vector<32x2048xf32> -> vector<32x2048xf32>
    %get3A_6 = arith.constant 0 : index
    %get3A_7 = arith.constant 0 : index
    %get3A_8 = vector.load %arg3[%get3A_6, %get3A_7] : memref<32x1xf32, #tpu.memory_space<vmem>>, vector<32x1xf32>
    %add3A = vector.broadcast %get3A_8 : vector<32x1xf32> to vector<32x2048xf32>
    %add3A_9 = arith.addf %dot_general3A_5, %add3A : vector<32x2048xf32>
    %eq3A = arith.constant 0 : i32
    %eq3A_10 = arith.cmpi eq, %arg0, %eq3A : i32
    %convert_element_type3A = arith.extui %eq3A_10 : i1 to i32
    %cond3A = arith.constant 0 : i32
    %cond3A_11 = arith.cmpi ne, %convert_element_type3A, %cond3A : i32
    scf.if %cond3A_11 {
      %broadcast_in_dim3A_34 = arith.constant 0.000000e+00 : f32
      %broadcast_in_dim3A_35 = vector.broadcast %broadcast_in_dim3A_34 : f32 to vector<32x1xf32>
      %swap3A_36 = arith.constant 0 : index
      %swap3A_37 = arith.constant 0 : index
      %swap3A_38 = vector.load %arg6[%swap3A_36, %swap3A_37] : memref<32x1xf32, #tpu.memory_space<vmem>>, vector<32x1xf32>
      tpu.vector_store %arg6[%swap3A_36, %swap3A_37], %broadcast_in_dim3A_35 {strides = array<i32>} : memref<32x1xf32, #tpu.memory_space<vmem>>, vector<32x1xf32>,
      %broadcast_in_dim3A_39 = arith.constant 0.000000e+00 : f32
      %broadcast_in_dim3A_40 = vector.broadcast %broadcast_in_dim3A_39 : f32 to vector<32x1xf32>
      %swap3A_41 = arith.constant 0 : index
      %swap3A_42 = arith.constant 0 : index
      %swap3A_43 = vector.load %arg7[%swap3A_41, %swap3A_42] : memref<32x1xf32, #tpu.memory_space<vmem>>, vector<32x1xf32>
      tpu.vector_store %arg7[%swap3A_41, %swap3A_42], %broadcast_in_dim3A_40 {strides = array<i32>} : memref<32x1xf32, #tpu.memory_space<vmem>>, vector<32x1xf32>,
    } else {
    }
    %get3A_12 = arith.constant 0 : index
    %get3A_13 = arith.constant 0 : index
    %get3A_14 = vector.load %arg6[%get3A_12, %get3A_13] : memref<32x1xf32, #tpu.memory_space<vmem>>, vector<32x1xf32>
    %reduce_sum3A = arith.constant dense<0.000000e+00> : vector<32xf32>
    %reduce_sum3A_15 = vector.multi_reduction <add>, %add3A_9, %reduce_sum3A [1] : vector<32x2048xf32> to vector<32xf32>
    %broadcast_in_dim3A = vector.shape_cast %reduce_sum3A_15 : vector<32xf32> to vector<32x1xf32>
    %add3A_16 = arith.addf %get3A_14, %broadcast_in_dim3A : vector<32x1xf32>
    %swap3A = arith.constant 0 : index
    %swap3A_17 = arith.constant 0 : index
    %swap3A_18 = vector.load %arg6[%swap3A, %swap3A_17] : memref<32x1xf32, #tpu.memory_space<vmem>>, vector<32x1xf32>
    tpu.vector_store %arg6[%swap3A, %swap3A_17], %add3A_16 {strides = array<i32>} : memref<32x1xf32, #tpu.memory_space<vmem>>, vector<32x1xf32>,
    %get3A_19 = arith.constant 0 : index
    %get3A_20 = arith.constant 0 : index
    %get3A_21 = vector.load %arg7[%get3A_19, %get3A_20] : memref<32x1xf32, #tpu.memory_space<vmem>>, vector<32x1xf32>
    %mul3A = arith.mulf %add3A_9, %add3A_9 : vector<32x2048xf32>
    %reduce_sum3A_22 = arith.constant dense<0.000000e+00> : vector<32xf32>
    %reduce_sum3A_23 = vector.multi_reduction <add>, %mul3A, %reduce_sum3A_22 [1] : vector<32x2048xf32> to vector<32xf32>
    %broadcast_in_dim3A_24 = vector.shape_cast %reduce_sum3A_23 : vector<32xf32> to vector<32x1xf32>
    %add3A_25 = arith.addf %get3A_21, %broadcast_in_dim3A_24 : vector<32x1xf32>
    %swap3A_26 = arith.constant 0 : index
    %swap3A_27 = arith.constant 0 : index
    %swap3A_28 = vector.load %arg7[%swap3A_26, %swap3A_27] : memref<32x1xf32, #tpu.memory_space<vmem>>, vector<32x1xf32>
    tpu.vector_store %arg7[%swap3A_26, %swap3A_27], %add3A_25 {strides = array<i32>} : memref<32x1xf32, #tpu.memory_space<vmem>>, vector<32x1xf32>,
    %eq3A_29 = arith.constant 31 : i32
    %eq3A_30 = arith.cmpi eq, %arg0, %eq3A_29 : i32
    %convert_element_type3A_31 = arith.extui %eq3A_30 : i1 to i32
    %cond3A_32 = arith.constant 0 : i32
    %cond3A_33 = arith.cmpi ne, %convert_element_type3A_31, %cond3A_32 : i32
    scf.if %cond3A_33 {
      %get3A_34 = arith.constant 0 : index
      %get3A_35 = arith.constant 0 : index
      %get3A_36 = vector.load %arg6[%get3A_34, %get3A_35] : memref<32x1xf32, #tpu.memory_space<vmem>>, vector<32x1xf32>
      %mul3A_37 = arith.constant 1.52587891E-5 : f32
      %mul3A_38 = vector.broadcast %mul3A_37 : f32 to vector<32x1xf32>
      %mul3A_39 = arith.mulf %get3A_36, %mul3A_38 : vector<32x1xf32>
      %swap3A_40 = arith.constant 0 : index
      %swap3A_41 = arith.constant 0 : index
      %swap3A_42 = vector.load %arg4[%swap3A_40, %swap3A_41] : memref<32x1xf32, #tpu.memory_space<vmem>>, vector<32x1xf32>
      tpu.vector_store %arg4[%swap3A_40, %swap3A_41], %mul3A_39 {strides = array<i32>} : memref<32x1xf32, #tpu.memory_space<vmem>>, vector<32x1xf32>,
      %get3A_43 = arith.constant 0 : index
      %get3A_44 = arith.constant 0 : index
      %get3A_45 = vector.load %arg7[%get3A_43, %get3A_44] : memref<32x1xf32, #tpu.memory_space<vmem>>, vector<32x1xf32>
      %mul3A_46 = arith.constant 1.52587891E-5 : f32
      %mul3A_47 = vector.broadcast %mul3A_46 : f32 to vector<32x1xf32>
      %mul3A_48 = arith.mulf %get3A_45, %mul3A_47 : vector<32x1xf32>
      %mul3A_49 = arith.mulf %mul3A_39, %mul3A_39 : vector<32x1xf32>
      %sub3A = arith.subf %mul3A_48, %mul3A_49 : vector<32x1xf32>
      %swap3A_50 = arith.constant 0 : index
      %swap3A_51 = arith.constant 0 : index
      %swap3A_52 = vector.load %arg5[%swap3A_50, %swap3A_51] : memref<32x1xf32, #tpu.memory_space<vmem>>, vector<32x1xf32>
      tpu.vector_store %arg5[%swap3A_50, %swap3A_51], %sub3A {strides = array<i32>} : memref<32x1xf32, #tpu.memory_space<vmem>>, vector<32x1xf32>,
    } else {
    }
    return
  }
  func.func @transform_0(%arg0: i32) -> (i32, i32) {
    %c0_i32 = arith.constant 0 : i32
    %c0_i32_0 = arith.constant 0 : i32
    return %c0_i32, %arg0 : i32, i32
  }
  func.func @transform_1(%arg0: i32) -> (i32, i32) {
    %c0_i32 = arith.constant 0 : i32
    %c0_i32_0 = arith.constant 0 : i32
    %c0_i32_1 = arith.constant 0 : i32
    return %c0_i32, %c0_i32_0 : i32, i32
  }
  func.func @transform_2(%arg0: i32) -> (i32, i32) {
    %c0_i32 = arith.constant 0 : i32
    %c0_i32_0 = arith.constant 0 : i32
    %c0_i32_1 = arith.constant 0 : i32
    return %c0_i32, %c0_i32_0 : i32, i32
  }
  func.func @transform_3(%arg0: i32) -> (i32, i32) {
    %c0_i32 = arith.constant 0 : i32
    %c0_i32_0 = arith.constant 0 : i32
    %c0_i32_1 = arith.constant 0 : i32
    return %c0_i32, %c0_i32_0 : i32, i32
  }
  func.func @transform_4(%arg0: i32) -> (i32, i32) {
    %c0_i32 = arith.constant 0 : i32
    %c0_i32_0 = arith.constant 0 : i32
    %c0_i32_1 = arith.constant 0 : i32
    return %c0_i32, %c0_i32_0 : i32, i32
  }
}

module attributes {stable_mosaic.version = 14 : i64} {
  func.func @_p1_body(%arg0: i32, %arg1: memref<8x2048xf32, #tpu.memory_space<vmem>>, %arg2: memref<32x8xf32, #tpu.memory_space<vmem>>, %arg3: memref<32x1xf32, #tpu.memory_space<vmem>>, %arg4: memref<32x1xf32, #tpu.memory_space<vmem>>, %arg5: memref<32x1xf32, #tpu.memory_space<vmem>>, %arg6: memref<32x1xf32, #tpu.memory_space<vmem>>, %arg7: memref<32x1xf32, #tpu.memory_space<vmem>>, %arg8: memref<64x32xf32, #tpu.memory_space<vmem>>, %arg9: memref<64x1xf32, #tpu.memory_space<vmem>>, %arg10: memref<64x1xf32, #tpu.memory_space<vmem>>, %arg11: memref<64x1xf32, #tpu.memory_space<vmem>>, %arg12: memref<64x1xf32, #tpu.memory_space<vmem>>, %arg13: memref<64x1xf32, #tpu.memory_space<vmem>>) attributes {dimension_semantics = [#tpu.dimension_semantics<arbitrary>], iteration_bounds = array<i64: 32>, scalar_prefetch = 0 : i64, scratch_operands = 2 : i64, tpu.core_type = #tpu.core_type<tc>, window_params = [{transform_indices = @transform_0, window_bounds = array<i64: 8, 2048>}, {pipeline_mode = #tpu.pipeline_mode<synchronous>, transform_indices = @transform_1, window_bounds = array<i64: 32, 8>}, {pipeline_mode = #tpu.pipeline_mode<synchronous>, transform_indices = @transform_2, window_bounds = array<i64: 32, 1>}, {pipeline_mode = #tpu.pipeline_mode<synchronous>, transform_indices = @transform_3, window_bounds = array<i64: 32, 1>}, {pipeline_mode = #tpu.pipeline_mode<synchronous>, transform_indices = @transform_4, window_bounds = array<i64: 32, 1>}, {pipeline_mode = #tpu.pipeline_mode<synchronous>, transform_indices = @transform_5, window_bounds = array<i64: 32, 1>}, {pipeline_mode = #tpu.pipeline_mode<synchronous>, transform_indices = @transform_6, window_bounds = array<i64: 32, 1>}, {pipeline_mode = #tpu.pipeline_mode<synchronous>, transform_indices = @transform_7, window_bounds = array<i64: 64, 32>}, {pipeline_mode = #tpu.pipeline_mode<synchronous>, transform_indices = @transform_8, window_bounds = array<i64: 64, 1>}, {pipeline_mode = #tpu.pipeline_mode<synchronous>, transform_indices = @transform_9, window_bounds = array<i64: 64, 1>}, {pipeline_mode = #tpu.pipeline_mode<synchronous>, transform_indices = @transform_10, window_bounds = array<i64: 64, 1>}]} {
    %get3A = arith.constant 0 : index
    %get3A_0 = arith.constant 0 : index
    %get3A_1 = vector.load %arg1[%get3A, %get3A_0] : memref<8x2048xf32, #tpu.memory_space<vmem>>, vector<8x2048xf32>
    %get3A_2 = arith.constant 0 : index
    %get3A_3 = arith.constant 0 : index
    %get3A_4 = vector.load %arg2[%get3A_2, %get3A_3] : memref<32x8xf32, #tpu.memory_space<vmem>>, vector<32x8xf32>
    %dot_general3A = arith.constant dense<0.000000e+00> : vector<32x2048xf32>
    %dot_general3A_5 = tpu.matmul %get3A_4, %get3A_1, %dot_general3A {dimension_numbers = #tpu.dot_dimension_numbers<[1], [0], [0], [1], [0, 0, 1, 1], [], []>, transpose_lhs_hint = false} : vector<32x8xf32>, vector<8x2048xf32>, vector<32x2048xf32> -> vector<32x2048xf32>
    %get3A_6 = arith.constant 0 : index
    %get3A_7 = arith.constant 0 : index
    %get3A_8 = vector.load %arg3[%get3A_6, %get3A_7] : memref<32x1xf32, #tpu.memory_space<vmem>>, vector<32x1xf32>
    %add3A = vector.broadcast %get3A_8 : vector<32x1xf32> to vector<32x2048xf32>
    %add3A_9 = arith.addf %dot_general3A_5, %add3A : vector<32x2048xf32>
    %get3A_10 = arith.constant 0 : index
    %get3A_11 = arith.constant 0 : index
    %get3A_12 = vector.load %arg4[%get3A_10, %get3A_11] : memref<32x1xf32, #tpu.memory_space<vmem>>, vector<32x1xf32>
    %sub3A = vector.broadcast %get3A_12 : vector<32x1xf32> to vector<32x2048xf32>
    %sub3A_13 = arith.subf %add3A_9, %sub3A : vector<32x2048xf32>
    %get3A_14 = arith.constant 0 : index
    %get3A_15 = arith.constant 0 : index
    %get3A_16 = vector.load %arg5[%get3A_14, %get3A_15] : memref<32x1xf32, #tpu.memory_space<vmem>>, vector<32x1xf32>
    %add3A_17 = arith.constant 9.99999974E-6 : f32
    %add3A_18 = vector.broadcast %add3A_17 : f32 to vector<32x1xf32>
    %add3A_19 = arith.addf %get3A_16, %add3A_18 : vector<32x1xf32>
    %sqrt3A = math.sqrt %add3A_19 : vector<32x1xf32>
    %div3A = vector.broadcast %sqrt3A : vector<32x1xf32> to vector<32x2048xf32>
    %div3A_20 = arith.divf %sub3A_13, %div3A : vector<32x2048xf32>
    %get3A_21 = arith.constant 0 : index
    %get3A_22 = arith.constant 0 : index
    %get3A_23 = vector.load %arg6[%get3A_21, %get3A_22] : memref<32x1xf32, #tpu.memory_space<vmem>>, vector<32x1xf32>
    %mul3A = vector.broadcast %get3A_23 : vector<32x1xf32> to vector<32x2048xf32>
    %mul3A_24 = arith.mulf %div3A_20, %mul3A : vector<32x2048xf32>
    %get3A_25 = arith.constant 0 : index
    %get3A_26 = arith.constant 0 : index
    %get3A_27 = vector.load %arg7[%get3A_25, %get3A_26] : memref<32x1xf32, #tpu.memory_space<vmem>>, vector<32x1xf32>
    %add3A_28 = vector.broadcast %get3A_27 : vector<32x1xf32> to vector<32x2048xf32>
    %add3A_29 = arith.addf %mul3A_24, %add3A_28 : vector<32x2048xf32>
    %max3A = arith.constant 0.000000e+00 : f32
    %max3A_30 = vector.broadcast %max3A : f32 to vector<32x2048xf32>
    %max3A_31 = arith.maximumf %add3A_29, %max3A_30 : vector<32x2048xf32>
    %get3A_32 = arith.constant 0 : index
    %get3A_33 = arith.constant 0 : index
    %get3A_34 = vector.load %arg8[%get3A_32, %get3A_33] : memref<64x32xf32, #tpu.memory_space<vmem>>, vector<64x32xf32>
    %dot_general3A_35 = arith.constant dense<0.000000e+00> : vector<64x2048xf32>
    %dot_general3A_36 = tpu.matmul %get3A_34, %max3A_31, %dot_general3A_35 {dimension_numbers = #tpu.dot_dimension_numbers<[1], [0], [0], [1], [0, 0, 1, 1], [], []>, transpose_lhs_hint = false} : vector<64x32xf32>, vector<32x2048xf32>, vector<64x2048xf32> -> vector<64x2048xf32>
    %get3A_37 = arith.constant 0 : index
    %get3A_38 = arith.constant 0 : index
    %get3A_39 = vector.load %arg9[%get3A_37, %get3A_38] : memref<64x1xf32, #tpu.memory_space<vmem>>, vector<64x1xf32>
    %add3A_40 = vector.broadcast %get3A_39 : vector<64x1xf32> to vector<64x2048xf32>
    %add3A_41 = arith.addf %dot_general3A_36, %add3A_40 : vector<64x2048xf32>
    %eq3A = arith.constant 0 : i32
    %eq3A_42 = arith.cmpi eq, %arg0, %eq3A : i32
    %convert_element_type3A = arith.extui %eq3A_42 : i1 to i32
    %cond3A = arith.constant 0 : i32
    %cond3A_43 = arith.cmpi ne, %convert_element_type3A, %cond3A : i32
    scf.if %cond3A_43 {
      %broadcast_in_dim3A_67 = arith.constant 0.000000e+00 : f32
      %broadcast_in_dim3A_68 = vector.broadcast %broadcast_in_dim3A_67 : f32 to vector<64x1xf32>
      %swap3A_69 = arith.constant 0 : index
      %swap3A_70 = arith.constant 0 : index
      %swap3A_71 = vector.load %arg12[%swap3A_69, %swap3A_70] : memref<64x1xf32, #tpu.memory_space<vmem>>, vector<64x1xf32>
      tpu.vector_store %arg12[%swap3A_69, %swap3A_70], %broadcast_in_dim3A_68 {strides = array<i32>} : memref<64x1xf32, #tpu.memory_space<vmem>>, vector<64x1xf32>,
      %broadcast_in_dim3A_72 = arith.constant 0.000000e+00 : f32
      %broadcast_in_dim3A_73 = vector.broadcast %broadcast_in_dim3A_72 : f32 to vector<64x1xf32>
      %swap3A_74 = arith.constant 0 : index
      %swap3A_75 = arith.constant 0 : index
      %swap3A_76 = vector.load %arg13[%swap3A_74, %swap3A_75] : memref<64x1xf32, #tpu.memory_space<vmem>>, vector<64x1xf32>
      tpu.vector_store %arg13[%swap3A_74, %swap3A_75], %broadcast_in_dim3A_73 {strides = array<i32>} : memref<64x1xf32, #tpu.memory_space<vmem>>, vector<64x1xf32>,
    } else {
    }
    %get3A_44 = arith.constant 0 : index
    %get3A_45 = arith.constant 0 : index
    %get3A_46 = vector.load %arg12[%get3A_44, %get3A_45] : memref<64x1xf32, #tpu.memory_space<vmem>>, vector<64x1xf32>
    %reduce_sum3A = arith.constant dense<0.000000e+00> : vector<64xf32>
    %reduce_sum3A_47 = vector.multi_reduction <add>, %add3A_41, %reduce_sum3A [1] : vector<64x2048xf32> to vector<64xf32>
    %broadcast_in_dim3A = vector.shape_cast %reduce_sum3A_47 : vector<64xf32> to vector<64x1xf32>
    %add3A_48 = arith.addf %get3A_46, %broadcast_in_dim3A : vector<64x1xf32>
    %swap3A = arith.constant 0 : index
    %swap3A_49 = arith.constant 0 : index
    %swap3A_50 = vector.load %arg12[%swap3A, %swap3A_49] : memref<64x1xf32, #tpu.memory_space<vmem>>, vector<64x1xf32>
    tpu.vector_store %arg12[%swap3A, %swap3A_49], %add3A_48 {strides = array<i32>} : memref<64x1xf32, #tpu.memory_space<vmem>>, vector<64x1xf32>,
    %get3A_51 = arith.constant 0 : index
    %get3A_52 = arith.constant 0 : index
    %get3A_53 = vector.load %arg13[%get3A_51, %get3A_52] : memref<64x1xf32, #tpu.memory_space<vmem>>, vector<64x1xf32>
    %mul3A_54 = arith.mulf %add3A_41, %add3A_41 : vector<64x2048xf32>
    %reduce_sum3A_55 = arith.constant dense<0.000000e+00> : vector<64xf32>
    %reduce_sum3A_56 = vector.multi_reduction <add>, %mul3A_54, %reduce_sum3A_55 [1] : vector<64x2048xf32> to vector<64xf32>
    %broadcast_in_dim3A_57 = vector.shape_cast %reduce_sum3A_56 : vector<64xf32> to vector<64x1xf32>
    %add3A_58 = arith.addf %get3A_53, %broadcast_in_dim3A_57 : vector<64x1xf32>
    %swap3A_59 = arith.constant 0 : index
    %swap3A_60 = arith.constant 0 : index
    %swap3A_61 = vector.load %arg13[%swap3A_59, %swap3A_60] : memref<64x1xf32, #tpu.memory_space<vmem>>, vector<64x1xf32>
    tpu.vector_store %arg13[%swap3A_59, %swap3A_60], %add3A_58 {strides = array<i32>} : memref<64x1xf32, #tpu.memory_space<vmem>>, vector<64x1xf32>,
    %eq3A_62 = arith.constant 31 : i32
    %eq3A_63 = arith.cmpi eq, %arg0, %eq3A_62 : i32
    %convert_element_type3A_64 = arith.extui %eq3A_63 : i1 to i32
    %cond3A_65 = arith.constant 0 : i32
    %cond3A_66 = arith.cmpi ne, %convert_element_type3A_64, %cond3A_65 : i32
    scf.if %cond3A_66 {
      %get3A_67 = arith.constant 0 : index
      %get3A_68 = arith.constant 0 : index
      %get3A_69 = vector.load %arg12[%get3A_67, %get3A_68] : memref<64x1xf32, #tpu.memory_space<vmem>>, vector<64x1xf32>
      %mul3A_70 = arith.constant 1.52587891E-5 : f32
      %mul3A_71 = vector.broadcast %mul3A_70 : f32 to vector<64x1xf32>
      %mul3A_72 = arith.mulf %get3A_69, %mul3A_71 : vector<64x1xf32>
      %swap3A_73 = arith.constant 0 : index
      %swap3A_74 = arith.constant 0 : index
      %swap3A_75 = vector.load %arg10[%swap3A_73, %swap3A_74] : memref<64x1xf32, #tpu.memory_space<vmem>>, vector<64x1xf32>
      tpu.vector_store %arg10[%swap3A_73, %swap3A_74], %mul3A_72 {strides = array<i32>} : memref<64x1xf32, #tpu.memory_space<vmem>>, vector<64x1xf32>,
      %get3A_76 = arith.constant 0 : index
      %get3A_77 = arith.constant 0 : index
      %get3A_78 = vector.load %arg13[%get3A_76, %get3A_77] : memref<64x1xf32, #tpu.memory_space<vmem>>, vector<64x1xf32>
      %mul3A_79 = arith.constant 1.52587891E-5 : f32
      %mul3A_80 = vector.broadcast %mul3A_79 : f32 to vector<64x1xf32>
      %mul3A_81 = arith.mulf %get3A_78, %mul3A_80 : vector<64x1xf32>
      %mul3A_82 = arith.mulf %mul3A_72, %mul3A_72 : vector<64x1xf32>
      %sub3A_83 = arith.subf %mul3A_81, %mul3A_82 : vector<64x1xf32>
      %swap3A_84 = arith.constant 0 : index
      %swap3A_85 = arith.constant 0 : index
      %swap3A_86 = vector.load %arg11[%swap3A_84, %swap3A_85] : memref<64x1xf32, #tpu.memory_space<vmem>>, vector<64x1xf32>
      tpu.vector_store %arg11[%swap3A_84, %swap3A_85], %sub3A_83 {strides = array<i32>} : memref<64x1xf32, #tpu.memory_space<vmem>>, vector<64x1xf32>,
    } else {
    }
    return
  }
  func.func @transform_0(%arg0: i32) -> (i32, i32) {
    %c0_i32 = arith.constant 0 : i32
    %c0_i32_0 = arith.constant 0 : i32
    return %c0_i32, %arg0 : i32, i32
  }
  func.func @transform_1(%arg0: i32) -> (i32, i32) {
    %c0_i32 = arith.constant 0 : i32
    %c0_i32_0 = arith.constant 0 : i32
    %c0_i32_1 = arith.constant 0 : i32
    return %c0_i32, %c0_i32_0 : i32, i32
  }
  func.func @transform_2(%arg0: i32) -> (i32, i32) {
    %c0_i32 = arith.constant 0 : i32
    %c0_i32_0 = arith.constant 0 : i32
    %c0_i32_1 = arith.constant 0 : i32
    return %c0_i32, %c0_i32_0 : i32, i32
  }
  func.func @transform_3(%arg0: i32) -> (i32, i32) {
    %c0_i32 = arith.constant 0 : i32
    %c0_i32_0 = arith.constant 0 : i32
    %c0_i32_1 = arith.constant 0 : i32
    return %c0_i32, %c0_i32_0 : i32, i32
  }
  func.func @transform_4(%arg0: i32) -> (i32, i32) {
    %c0_i32 = arith.constant 0 : i32
    %c0_i32_0 = arith.constant 0 : i32
    %c0_i32_1 = arith.constant 0 : i32
    return %c0_i32, %c0_i32_0 : i32, i32
  }
  func.func @transform_5(%arg0: i32) -> (i32, i32) {
    %c0_i32 = arith.constant 0 : i32
    %c0_i32_0 = arith.constant 0 : i32
    %c0_i32_1 = arith.constant 0 : i32
    return %c0_i32, %c0_i32_0 : i32, i32
  }
  func.func @transform_6(%arg0: i32) -> (i32, i32) {
    %c0_i32 = arith.constant 0 : i32
    %c0_i32_0 = arith.constant 0 : i32
    %c0_i32_1 = arith.constant 0 : i32
    return %c0_i32, %c0_i32_0 : i32, i32
  }
  func.func @transform_7(%arg0: i32) -> (i32, i32) {
    %c0_i32 = arith.constant 0 : i32
    %c0_i32_0 = arith.constant 0 : i32
    %c0_i32_1 = arith.constant 0 : i32
    return %c0_i32, %c0_i32_0 : i32, i32
  }
  func.func @transform_8(%arg0: i32) -> (i32, i32) {
    %c0_i32 = arith.constant 0 : i32
    %c0_i32_0 = arith.constant 0 : i32
    %c0_i32_1 = arith.constant 0 : i32
    return %c0_i32, %c0_i32_0 : i32, i32
  }
  func.func @transform_9(%arg0: i32) -> (i32, i32) {
    %c0_i32 = arith.constant 0 : i32
    %c0_i32_0 = arith.constant 0 : i32
    %c0_i32_1 = arith.constant 0 : i32
    return %c0_i32, %c0_i32_0 : i32, i32
  }
  func.func @transform_10(%arg0: i32) -> (i32, i32) {
    %c0_i32 = arith.constant 0 : i32
    %c0_i32_0 = arith.constant 0 : i32
    %c0_i32_1 = arith.constant 0 : i32
    return %c0_i32, %c0_i32_0 : i32, i32
  }
}

module attributes {stable_mosaic.version = 14 : i64} {
  func.func @_p2_body(%arg0: i32, %arg1: memref<8x2048xf32, #tpu.memory_space<vmem>>, %arg2: memref<32x8xf32, #tpu.memory_space<vmem>>, %arg3: memref<32x1xf32, #tpu.memory_space<vmem>>, %arg4: memref<32x1xf32, #tpu.memory_space<vmem>>, %arg5: memref<32x1xf32, #tpu.memory_space<vmem>>, %arg6: memref<32x1xf32, #tpu.memory_space<vmem>>, %arg7: memref<32x1xf32, #tpu.memory_space<vmem>>, %arg8: memref<64x32xf32, #tpu.memory_space<vmem>>, %arg9: memref<64x1xf32, #tpu.memory_space<vmem>>, %arg10: memref<64x1xf32, #tpu.memory_space<vmem>>, %arg11: memref<64x1xf32, #tpu.memory_space<vmem>>, %arg12: memref<64x1xf32, #tpu.memory_space<vmem>>, %arg13: memref<64x1xf32, #tpu.memory_space<vmem>>, %arg14: memref<256x64xf32, #tpu.memory_space<vmem>>, %arg15: memref<256x1xf32, #tpu.memory_space<vmem>>, %arg16: memref<256x1xf32, #tpu.memory_space<vmem>>, %arg17: memref<256x1xf32, #tpu.memory_space<vmem>>, %arg18: memref<256x1xf32, #tpu.memory_space<vmem>>, %arg19: memref<256x1xf32, #tpu.memory_space<vmem>>) attributes {dimension_semantics = [#tpu.dimension_semantics<arbitrary>], iteration_bounds = array<i64: 32>, scalar_prefetch = 0 : i64, scratch_operands = 2 : i64, tpu.core_type = #tpu.core_type<tc>, window_params = [{transform_indices = @transform_0, window_bounds = array<i64: 8, 2048>}, {pipeline_mode = #tpu.pipeline_mode<synchronous>, transform_indices = @transform_1, window_bounds = array<i64: 32, 8>}, {pipeline_mode = #tpu.pipeline_mode<synchronous>, transform_indices = @transform_2, window_bounds = array<i64: 32, 1>}, {pipeline_mode = #tpu.pipeline_mode<synchronous>, transform_indices = @transform_3, window_bounds = array<i64: 32, 1>}, {pipeline_mode = #tpu.pipeline_mode<synchronous>, transform_indices = @transform_4, window_bounds = array<i64: 32, 1>}, {pipeline_mode = #tpu.pipeline_mode<synchronous>, transform_indices = @transform_5, window_bounds = array<i64: 32, 1>}, {pipeline_mode = #tpu.pipeline_mode<synchronous>, transform_indices = @transform_6, window_bounds = array<i64: 32, 1>}, {pipeline_mode = #tpu.pipeline_mode<synchronous>, transform_indices = @transform_7, window_bounds = array<i64: 64, 32>}, {pipeline_mode = #tpu.pipeline_mode<synchronous>, transform_indices = @transform_8, window_bounds = array<i64: 64, 1>}, {pipeline_mode = #tpu.pipeline_mode<synchronous>, transform_indices = @transform_9, window_bounds = array<i64: 64, 1>}, {pipeline_mode = #tpu.pipeline_mode<synchronous>, transform_indices = @transform_10, window_bounds = array<i64: 64, 1>}, {pipeline_mode = #tpu.pipeline_mode<synchronous>, transform_indices = @transform_11, window_bounds = array<i64: 64, 1>}, {pipeline_mode = #tpu.pipeline_mode<synchronous>, transform_indices = @transform_12, window_bounds = array<i64: 64, 1>}, {pipeline_mode = #tpu.pipeline_mode<synchronous>, transform_indices = @transform_13, window_bounds = array<i64: 256, 64>}, {pipeline_mode = #tpu.pipeline_mode<synchronous>, transform_indices = @transform_14, window_bounds = array<i64: 256, 1>}, {pipeline_mode = #tpu.pipeline_mode<synchronous>, transform_indices = @transform_15, window_bounds = array<i64: 256, 1>}, {pipeline_mode = #tpu.pipeline_mode<synchronous>, transform_indices = @transform_16, window_bounds = array<i64: 256, 1>}]} {
    %get3A = arith.constant 0 : index
    %get3A_0 = arith.constant 0 : index
    %get3A_1 = vector.load %arg1[%get3A, %get3A_0] : memref<8x2048xf32, #tpu.memory_space<vmem>>, vector<8x2048xf32>
    %get3A_2 = arith.constant 0 : index
    %get3A_3 = arith.constant 0 : index
    %get3A_4 = vector.load %arg2[%get3A_2, %get3A_3] : memref<32x8xf32, #tpu.memory_space<vmem>>, vector<32x8xf32>
    %dot_general3A = arith.constant dense<0.000000e+00> : vector<32x2048xf32>
    %dot_general3A_5 = tpu.matmul %get3A_4, %get3A_1, %dot_general3A {dimension_numbers = #tpu.dot_dimension_numbers<[1], [0], [0], [1], [0, 0, 1, 1], [], []>, transpose_lhs_hint = false} : vector<32x8xf32>, vector<8x2048xf32>, vector<32x2048xf32> -> vector<32x2048xf32>
    %get3A_6 = arith.constant 0 : index
    %get3A_7 = arith.constant 0 : index
    %get3A_8 = vector.load %arg3[%get3A_6, %get3A_7] : memref<32x1xf32, #tpu.memory_space<vmem>>, vector<32x1xf32>
    %add3A = vector.broadcast %get3A_8 : vector<32x1xf32> to vector<32x2048xf32>
    %add3A_9 = arith.addf %dot_general3A_5, %add3A : vector<32x2048xf32>
    %get3A_10 = arith.constant 0 : index
    %get3A_11 = arith.constant 0 : index
    %get3A_12 = vector.load %arg4[%get3A_10, %get3A_11] : memref<32x1xf32, #tpu.memory_space<vmem>>, vector<32x1xf32>
    %sub3A = vector.broadcast %get3A_12 : vector<32x1xf32> to vector<32x2048xf32>
    %sub3A_13 = arith.subf %add3A_9, %sub3A : vector<32x2048xf32>
    %get3A_14 = arith.constant 0 : index
    %get3A_15 = arith.constant 0 : index
    %get3A_16 = vector.load %arg5[%get3A_14, %get3A_15] : memref<32x1xf32, #tpu.memory_space<vmem>>, vector<32x1xf32>
    %add3A_17 = arith.constant 9.99999974E-6 : f32
    %add3A_18 = vector.broadcast %add3A_17 : f32 to vector<32x1xf32>
    %add3A_19 = arith.addf %get3A_16, %add3A_18 : vector<32x1xf32>
    %sqrt3A = math.sqrt %add3A_19 : vector<32x1xf32>
    %div3A = vector.broadcast %sqrt3A : vector<32x1xf32> to vector<32x2048xf32>
    %div3A_20 = arith.divf %sub3A_13, %div3A : vector<32x2048xf32>
    %get3A_21 = arith.constant 0 : index
    %get3A_22 = arith.constant 0 : index
    %get3A_23 = vector.load %arg6[%get3A_21, %get3A_22] : memref<32x1xf32, #tpu.memory_space<vmem>>, vector<32x1xf32>
    %mul3A = vector.broadcast %get3A_23 : vector<32x1xf32> to vector<32x2048xf32>
    %mul3A_24 = arith.mulf %div3A_20, %mul3A : vector<32x2048xf32>
    %get3A_25 = arith.constant 0 : index
    %get3A_26 = arith.constant 0 : index
    %get3A_27 = vector.load %arg7[%get3A_25, %get3A_26] : memref<32x1xf32, #tpu.memory_space<vmem>>, vector<32x1xf32>
    %add3A_28 = vector.broadcast %get3A_27 : vector<32x1xf32> to vector<32x2048xf32>
    %add3A_29 = arith.addf %mul3A_24, %add3A_28 : vector<32x2048xf32>
    %max3A = arith.constant 0.000000e+00 : f32
    %max3A_30 = vector.broadcast %max3A : f32 to vector<32x2048xf32>
    %max3A_31 = arith.maximumf %add3A_29, %max3A_30 : vector<32x2048xf32>
    %get3A_32 = arith.constant 0 : index
    %get3A_33 = arith.constant 0 : index
    %get3A_34 = vector.load %arg8[%get3A_32, %get3A_33] : memref<64x32xf32, #tpu.memory_space<vmem>>, vector<64x32xf32>
    %dot_general3A_35 = arith.constant dense<0.000000e+00> : vector<64x2048xf32>
    %dot_general3A_36 = tpu.matmul %get3A_34, %max3A_31, %dot_general3A_35 {dimension_numbers = #tpu.dot_dimension_numbers<[1], [0], [0], [1], [0, 0, 1, 1], [], []>, transpose_lhs_hint = false} : vector<64x32xf32>, vector<32x2048xf32>, vector<64x2048xf32> -> vector<64x2048xf32>
    %get3A_37 = arith.constant 0 : index
    %get3A_38 = arith.constant 0 : index
    %get3A_39 = vector.load %arg9[%get3A_37, %get3A_38] : memref<64x1xf32, #tpu.memory_space<vmem>>, vector<64x1xf32>
    %add3A_40 = vector.broadcast %get3A_39 : vector<64x1xf32> to vector<64x2048xf32>
    %add3A_41 = arith.addf %dot_general3A_36, %add3A_40 : vector<64x2048xf32>
    %get3A_42 = arith.constant 0 : index
    %get3A_43 = arith.constant 0 : index
    %get3A_44 = vector.load %arg10[%get3A_42, %get3A_43] : memref<64x1xf32, #tpu.memory_space<vmem>>, vector<64x1xf32>
    %sub3A_45 = vector.broadcast %get3A_44 : vector<64x1xf32> to vector<64x2048xf32>
    %sub3A_46 = arith.subf %add3A_41, %sub3A_45 : vector<64x2048xf32>
    %get3A_47 = arith.constant 0 : index
    %get3A_48 = arith.constant 0 : index
    %get3A_49 = vector.load %arg11[%get3A_47, %get3A_48] : memref<64x1xf32, #tpu.memory_space<vmem>>, vector<64x1xf32>
    %add3A_50 = arith.constant 9.99999974E-6 : f32
    %add3A_51 = vector.broadcast %add3A_50 : f32 to vector<64x1xf32>
    %add3A_52 = arith.addf %get3A_49, %add3A_51 : vector<64x1xf32>
    %sqrt3A_53 = math.sqrt %add3A_52 : vector<64x1xf32>
    %div3A_54 = vector.broadcast %sqrt3A_53 : vector<64x1xf32> to vector<64x2048xf32>
    %div3A_55 = arith.divf %sub3A_46, %div3A_54 : vector<64x2048xf32>
    %get3A_56 = arith.constant 0 : index
    %get3A_57 = arith.constant 0 : index
    %get3A_58 = vector.load %arg12[%get3A_56, %get3A_57] : memref<64x1xf32, #tpu.memory_space<vmem>>, vector<64x1xf32>
    %mul3A_59 = vector.broadcast %get3A_58 : vector<64x1xf32> to vector<64x2048xf32>
    %mul3A_60 = arith.mulf %div3A_55, %mul3A_59 : vector<64x2048xf32>
    %get3A_61 = arith.constant 0 : index
    %get3A_62 = arith.constant 0 : index
    %get3A_63 = vector.load %arg13[%get3A_61, %get3A_62] : memref<64x1xf32, #tpu.memory_space<vmem>>, vector<64x1xf32>
    %add3A_64 = vector.broadcast %get3A_63 : vector<64x1xf32> to vector<64x2048xf32>
    %add3A_65 = arith.addf %mul3A_60, %add3A_64 : vector<64x2048xf32>
    %max3A_66 = arith.constant 0.000000e+00 : f32
    %max3A_67 = vector.broadcast %max3A_66 : f32 to vector<64x2048xf32>
    %max3A_68 = arith.maximumf %add3A_65, %max3A_67 : vector<64x2048xf32>
    %get3A_69 = arith.constant 0 : index
    %get3A_70 = arith.constant 0 : index
    %get3A_71 = vector.load %arg14[%get3A_69, %get3A_70] : memref<256x64xf32, #tpu.memory_space<vmem>>, vector<256x64xf32>
    %dot_general3A_72 = arith.constant dense<0.000000e+00> : vector<256x2048xf32>
    %dot_general3A_73 = tpu.matmul %get3A_71, %max3A_68, %dot_general3A_72 {dimension_numbers = #tpu.dot_dimension_numbers<[1], [0], [0], [1], [0, 0, 1, 1], [], []>, transpose_lhs_hint = false} : vector<256x64xf32>, vector<64x2048xf32>, vector<256x2048xf32> -> vector<256x2048xf32>
    %get3A_74 = arith.constant 0 : index
    %get3A_75 = arith.constant 0 : index
    %get3A_76 = vector.load %arg15[%get3A_74, %get3A_75] : memref<256x1xf32, #tpu.memory_space<vmem>>, vector<256x1xf32>
    %add3A_77 = vector.broadcast %get3A_76 : vector<256x1xf32> to vector<256x2048xf32>
    %add3A_78 = arith.addf %dot_general3A_73, %add3A_77 : vector<256x2048xf32>
    %eq3A = arith.constant 0 : i32
    %eq3A_79 = arith.cmpi eq, %arg0, %eq3A : i32
    %convert_element_type3A = arith.extui %eq3A_79 : i1 to i32
    %cond3A = arith.constant 0 : i32
    %cond3A_80 = arith.cmpi ne, %convert_element_type3A, %cond3A : i32
    scf.if %cond3A_80 {
      %broadcast_in_dim3A_104 = arith.constant 0.000000e+00 : f32
      %broadcast_in_dim3A_105 = vector.broadcast %broadcast_in_dim3A_104 : f32 to vector<256x1xf32>
      %swap3A_106 = arith.constant 0 : index
      %swap3A_107 = arith.constant 0 : index
      %swap3A_108 = vector.load %arg18[%swap3A_106, %swap3A_107] : memref<256x1xf32, #tpu.memory_space<vmem>>, vector<256x1xf32>
      tpu.vector_store %arg18[%swap3A_106, %swap3A_107], %broadcast_in_dim3A_105 {strides = array<i32>} : memref<256x1xf32, #tpu.memory_space<vmem>>, vector<256x1xf32>,
      %broadcast_in_dim3A_109 = arith.constant 0.000000e+00 : f32
      %broadcast_in_dim3A_110 = vector.broadcast %broadcast_in_dim3A_109 : f32 to vector<256x1xf32>
      %swap3A_111 = arith.constant 0 : index
      %swap3A_112 = arith.constant 0 : index
      %swap3A_113 = vector.load %arg19[%swap3A_111, %swap3A_112] : memref<256x1xf32, #tpu.memory_space<vmem>>, vector<256x1xf32>
      tpu.vector_store %arg19[%swap3A_111, %swap3A_112], %broadcast_in_dim3A_110 {strides = array<i32>} : memref<256x1xf32, #tpu.memory_space<vmem>>, vector<256x1xf32>,
    } else {
    }
    %get3A_81 = arith.constant 0 : index
    %get3A_82 = arith.constant 0 : index
    %get3A_83 = vector.load %arg18[%get3A_81, %get3A_82] : memref<256x1xf32, #tpu.memory_space<vmem>>, vector<256x1xf32>
    %reduce_sum3A = arith.constant dense<0.000000e+00> : vector<256xf32>
    %reduce_sum3A_84 = vector.multi_reduction <add>, %add3A_78, %reduce_sum3A [1] : vector<256x2048xf32> to vector<256xf32>
    %broadcast_in_dim3A = vector.shape_cast %reduce_sum3A_84 : vector<256xf32> to vector<256x1xf32>
    %add3A_85 = arith.addf %get3A_83, %broadcast_in_dim3A : vector<256x1xf32>
    %swap3A = arith.constant 0 : index
    %swap3A_86 = arith.constant 0 : index
    %swap3A_87 = vector.load %arg18[%swap3A, %swap3A_86] : memref<256x1xf32, #tpu.memory_space<vmem>>, vector<256x1xf32>
    tpu.vector_store %arg18[%swap3A, %swap3A_86], %add3A_85 {strides = array<i32>} : memref<256x1xf32, #tpu.memory_space<vmem>>, vector<256x1xf32>,
    %get3A_88 = arith.constant 0 : index
    %get3A_89 = arith.constant 0 : index
    %get3A_90 = vector.load %arg19[%get3A_88, %get3A_89] : memref<256x1xf32, #tpu.memory_space<vmem>>, vector<256x1xf32>
    %mul3A_91 = arith.mulf %add3A_78, %add3A_78 : vector<256x2048xf32>
    %reduce_sum3A_92 = arith.constant dense<0.000000e+00> : vector<256xf32>
    %reduce_sum3A_93 = vector.multi_reduction <add>, %mul3A_91, %reduce_sum3A_92 [1] : vector<256x2048xf32> to vector<256xf32>
    %broadcast_in_dim3A_94 = vector.shape_cast %reduce_sum3A_93 : vector<256xf32> to vector<256x1xf32>
    %add3A_95 = arith.addf %get3A_90, %broadcast_in_dim3A_94 : vector<256x1xf32>
    %swap3A_96 = arith.constant 0 : index
    %swap3A_97 = arith.constant 0 : index
    %swap3A_98 = vector.load %arg19[%swap3A_96, %swap3A_97] : memref<256x1xf32, #tpu.memory_space<vmem>>, vector<256x1xf32>
    tpu.vector_store %arg19[%swap3A_96, %swap3A_97], %add3A_95 {strides = array<i32>} : memref<256x1xf32, #tpu.memory_space<vmem>>, vector<256x1xf32>,
    %eq3A_99 = arith.constant 31 : i32
    %eq3A_100 = arith.cmpi eq, %arg0, %eq3A_99 : i32
    %convert_element_type3A_101 = arith.extui %eq3A_100 : i1 to i32
    %cond3A_102 = arith.constant 0 : i32
    %cond3A_103 = arith.cmpi ne, %convert_element_type3A_101, %cond3A_102 : i32
    scf.if %cond3A_103 {
      %get3A_104 = arith.constant 0 : index
      %get3A_105 = arith.constant 0 : index
      %get3A_106 = vector.load %arg18[%get3A_104, %get3A_105] : memref<256x1xf32, #tpu.memory_space<vmem>>, vector<256x1xf32>
      %mul3A_107 = arith.constant 1.52587891E-5 : f32
      %mul3A_108 = vector.broadcast %mul3A_107 : f32 to vector<256x1xf32>
      %mul3A_109 = arith.mulf %get3A_106, %mul3A_108 : vector<256x1xf32>
      %swap3A_110 = arith.constant 0 : index
      %swap3A_111 = arith.constant 0 : index
      %swap3A_112 = vector.load %arg16[%swap3A_110, %swap3A_111] : memref<256x1xf32, #tpu.memory_space<vmem>>, vector<256x1xf32>
      tpu.vector_store %arg16[%swap3A_110, %swap3A_111], %mul3A_109 {strides = array<i32>} : memref<256x1xf32, #tpu.memory_space<vmem>>, vector<256x1xf32>,
      %get3A_113 = arith.constant 0 : index
      %get3A_114 = arith.constant 0 : index
      %get3A_115 = vector.load %arg19[%get3A_113, %get3A_114] : memref<256x1xf32, #tpu.memory_space<vmem>>, vector<256x1xf32>
      %mul3A_116 = arith.constant 1.52587891E-5 : f32
      %mul3A_117 = vector.broadcast %mul3A_116 : f32 to vector<256x1xf32>
      %mul3A_118 = arith.mulf %get3A_115, %mul3A_117 : vector<256x1xf32>
      %mul3A_119 = arith.mulf %mul3A_109, %mul3A_109 : vector<256x1xf32>
      %sub3A_120 = arith.subf %mul3A_118, %mul3A_119 : vector<256x1xf32>
      %swap3A_121 = arith.constant 0 : index
      %swap3A_122 = arith.constant 0 : index
      %swap3A_123 = vector.load %arg17[%swap3A_121, %swap3A_122] : memref<256x1xf32, #tpu.memory_space<vmem>>, vector<256x1xf32>
      tpu.vector_store %arg17[%swap3A_121, %swap3A_122], %sub3A_120 {strides = array<i32>} : memref<256x1xf32, #tpu.memory_space<vmem>>, vector<256x1xf32>,
    } else {
    }
    return
  }
  func.func @transform_0(%arg0: i32) -> (i32, i32) {
    %c0_i32 = arith.constant 0 : i32
    %c0_i32_0 = arith.constant 0 : i32
    return %c0_i32, %arg0 : i32, i32
  }
  func.func @transform_1(%arg0: i32) -> (i32, i32) {
    %c0_i32 = arith.constant 0 : i32
    %c0_i32_0 = arith.constant 0 : i32
    %c0_i32_1 = arith.constant 0 : i32
    return %c0_i32, %c0_i32_0 : i32, i32
  }
  func.func @transform_2(%arg0: i32) -> (i32, i32) {
    %c0_i32 = arith.constant 0 : i32
    %c0_i32_0 = arith.constant 0 : i32
    %c0_i32_1 = arith.constant 0 : i32
    return %c0_i32, %c0_i32_0 : i32, i32
  }
  func.func @transform_3(%arg0: i32) -> (i32, i32) {
    %c0_i32 = arith.constant 0 : i32
    %c0_i32_0 = arith.constant 0 : i32
    %c0_i32_1 = arith.constant 0 : i32
    return %c0_i32, %c0_i32_0 : i32, i32
  }
  func.func @transform_4(%arg0: i32) -> (i32, i32) {
    %c0_i32 = arith.constant 0 : i32
    %c0_i32_0 = arith.constant 0 : i32
    %c0_i32_1 = arith.constant 0 : i32
    return %c0_i32, %c0_i32_0 : i32, i32
  }
  func.func @transform_5(%arg0: i32) -> (i32, i32) {
    %c0_i32 = arith.constant 0 : i32
    %c0_i32_0 = arith.constant 0 : i32
    %c0_i32_1 = arith.constant 0 : i32
    return %c0_i32, %c0_i32_0 : i32, i32
  }
  func.func @transform_6(%arg0: i32) -> (i32, i32) {
    %c0_i32 = arith.constant 0 : i32
    %c0_i32_0 = arith.constant 0 : i32
    %c0_i32_1 = arith.constant 0 : i32
    return %c0_i32, %c0_i32_0 : i32, i32
  }
  func.func @transform_7(%arg0: i32) -> (i32, i32) {
    %c0_i32 = arith.constant 0 : i32
    %c0_i32_0 = arith.constant 0 : i32
    %c0_i32_1 = arith.constant 0 : i32
    return %c0_i32, %c0_i32_0 : i32, i32
  }
  func.func @transform_8(%arg0: i32) -> (i32, i32) {
    %c0_i32 = arith.constant 0 : i32
    %c0_i32_0 = arith.constant 0 : i32
    %c0_i32_1 = arith.constant 0 : i32
    return %c0_i32, %c0_i32_0 : i32, i32
  }
  func.func @transform_9(%arg0: i32) -> (i32, i32) {
    %c0_i32 = arith.constant 0 : i32
    %c0_i32_0 = arith.constant 0 : i32
    %c0_i32_1 = arith.constant 0 : i32
    return %c0_i32, %c0_i32_0 : i32, i32
  }
  func.func @transform_10(%arg0: i32) -> (i32, i32) {
    %c0_i32 = arith.constant 0 : i32
    %c0_i32_0 = arith.constant 0 : i32
    %c0_i32_1 = arith.constant 0 : i32
    return %c0_i32, %c0_i32_0 : i32, i32
  }
  func.func @transform_11(%arg0: i32) -> (i32, i32) {
    %c0_i32 = arith.constant 0 : i32
    %c0_i32_0 = arith.constant 0 : i32
    %c0_i32_1 = arith.constant 0 : i32
    return %c0_i32, %c0_i32_0 : i32, i32
  }
  func.func @transform_12(%arg0: i32) -> (i32, i32) {
    %c0_i32 = arith.constant 0 : i32
    %c0_i32_0 = arith.constant 0 : i32
    %c0_i32_1 = arith.constant 0 : i32
    return %c0_i32, %c0_i32_0 : i32, i32
  }
  func.func @transform_13(%arg0: i32) -> (i32, i32) {
    %c0_i32 = arith.constant 0 : i32
    %c0_i32_0 = arith.constant 0 : i32
    %c0_i32_1 = arith.constant 0 : i32
    return %c0_i32, %c0_i32_0 : i32, i32
  }
  func.func @transform_14(%arg0: i32) -> (i32, i32) {
    %c0_i32 = arith.constant 0 : i32
    %c0_i32_0 = arith.constant 0 : i32
    %c0_i32_1 = arith.constant 0 : i32
    return %c0_i32, %c0_i32_0 : i32, i32
  }
  func.func @transform_15(%arg0: i32) -> (i32, i32) {
    %c0_i32 = arith.constant 0 : i32
    %c0_i32_0 = arith.constant 0 : i32
    %c0_i32_1 = arith.constant 0 : i32
    return %c0_i32, %c0_i32_0 : i32, i32
  }
  func.func @transform_16(%arg0: i32) -> (i32, i32) {
    %c0_i32 = arith.constant 0 : i32
    %c0_i32_0 = arith.constant 0 : i32
    %c0_i32_1 = arith.constant 0 : i32
    return %c0_i32, %c0_i32_0 : i32, i32
  }
}

module attributes {stable_mosaic.version = 14 : i64} {
  func.func @_p3_body(%arg0: i32, %arg1: memref<8x1024xf32, #tpu.memory_space<vmem>>, %arg2: memref<32x8xf32, #tpu.memory_space<vmem>>, %arg3: memref<32x1xf32, #tpu.memory_space<vmem>>, %arg4: memref<32x1xf32, #tpu.memory_space<vmem>>, %arg5: memref<32x1xf32, #tpu.memory_space<vmem>>, %arg6: memref<32x1xf32, #tpu.memory_space<vmem>>, %arg7: memref<32x1xf32, #tpu.memory_space<vmem>>, %arg8: memref<64x32xf32, #tpu.memory_space<vmem>>, %arg9: memref<64x1xf32, #tpu.memory_space<vmem>>, %arg10: memref<64x1xf32, #tpu.memory_space<vmem>>, %arg11: memref<64x1xf32, #tpu.memory_space<vmem>>, %arg12: memref<64x1xf32, #tpu.memory_space<vmem>>, %arg13: memref<64x1xf32, #tpu.memory_space<vmem>>, %arg14: memref<256x64xf32, #tpu.memory_space<vmem>>, %arg15: memref<256x1xf32, #tpu.memory_space<vmem>>, %arg16: memref<256x1xf32, #tpu.memory_space<vmem>>, %arg17: memref<256x1xf32, #tpu.memory_space<vmem>>, %arg18: memref<256x1xf32, #tpu.memory_space<vmem>>, %arg19: memref<256x1xf32, #tpu.memory_space<vmem>>, %arg20: memref<512x256xf32, #tpu.memory_space<vmem>>, %arg21: memref<512x1xf32, #tpu.memory_space<vmem>>, %arg22: memref<1x512x1024xf32, #tpu.memory_space<vmem>>) attributes {dimension_semantics = [#tpu.dimension_semantics<arbitrary>], iteration_bounds = array<i64: 64>, scalar_prefetch = 0 : i64, scratch_operands = 0 : i64, tpu.core_type = #tpu.core_type<tc>, window_params = [{transform_indices = @transform_0, window_bounds = array<i64: 8, 1024>}, {pipeline_mode = #tpu.pipeline_mode<synchronous>, transform_indices = @transform_1, window_bounds = array<i64: 32, 8>}, {pipeline_mode = #tpu.pipeline_mode<synchronous>, transform_indices = @transform_2, window_bounds = array<i64: 32, 1>}, {pipeline_mode = #tpu.pipeline_mode<synchronous>, transform_indices = @transform_3, window_bounds = array<i64: 32, 1>}, {pipeline_mode = #tpu.pipeline_mode<synchronous>, transform_indices = @transform_4, window_bounds = array<i64: 32, 1>}, {pipeline_mode = #tpu.pipeline_mode<synchronous>, transform_indices = @transform_5, window_bounds = array<i64: 32, 1>}, {pipeline_mode = #tpu.pipeline_mode<synchronous>, transform_indices = @transform_6, window_bounds = array<i64: 32, 1>}, {pipeline_mode = #tpu.pipeline_mode<synchronous>, transform_indices = @transform_7, window_bounds = array<i64: 64, 32>}, {pipeline_mode = #tpu.pipeline_mode<synchronous>, transform_indices = @transform_8, window_bounds = array<i64: 64, 1>}, {pipeline_mode = #tpu.pipeline_mode<synchronous>, transform_indices = @transform_9, window_bounds = array<i64: 64, 1>}, {pipeline_mode = #tpu.pipeline_mode<synchronous>, transform_indices = @transform_10, window_bounds = array<i64: 64, 1>}, {pipeline_mode = #tpu.pipeline_mode<synchronous>, transform_indices = @transform_11, window_bounds = array<i64: 64, 1>}, {pipeline_mode = #tpu.pipeline_mode<synchronous>, transform_indices = @transform_12, window_bounds = array<i64: 64, 1>}, {pipeline_mode = #tpu.pipeline_mode<synchronous>, transform_indices = @transform_13, window_bounds = array<i64: 256, 64>}, {pipeline_mode = #tpu.pipeline_mode<synchronous>, transform_indices = @transform_14, window_bounds = array<i64: 256, 1>}, {pipeline_mode = #tpu.pipeline_mode<synchronous>, transform_indices = @transform_15, window_bounds = array<i64: 256, 1>}, {pipeline_mode = #tpu.pipeline_mode<synchronous>, transform_indices = @transform_16, window_bounds = array<i64: 256, 1>}, {pipeline_mode = #tpu.pipeline_mode<synchronous>, transform_indices = @transform_17, window_bounds = array<i64: 256, 1>}, {pipeline_mode = #tpu.pipeline_mode<synchronous>, transform_indices = @transform_18, window_bounds = array<i64: 256, 1>}, {pipeline_mode = #tpu.pipeline_mode<synchronous>, transform_indices = @transform_19, window_bounds = array<i64: 512, 256>}, {pipeline_mode = #tpu.pipeline_mode<synchronous>, transform_indices = @transform_20, window_bounds = array<i64: 512, 1>}, {transform_indices = @transform_21, window_bounds = array<i64: 1, 512, 1024>}]} {
    %get3A = arith.constant 0 : index
    %get3A_0 = arith.constant 0 : index
    %get3A_1 = vector.load %arg1[%get3A, %get3A_0] : memref<8x1024xf32, #tpu.memory_space<vmem>>, vector<8x1024xf32>
    %get3A_2 = arith.constant 0 : index
    %get3A_3 = arith.constant 0 : index
    %get3A_4 = vector.load %arg2[%get3A_2, %get3A_3] : memref<32x8xf32, #tpu.memory_space<vmem>>, vector<32x8xf32>
    %dot_general3A = arith.constant dense<0.000000e+00> : vector<32x1024xf32>
    %dot_general3A_5 = tpu.matmul %get3A_4, %get3A_1, %dot_general3A {dimension_numbers = #tpu.dot_dimension_numbers<[1], [0], [0], [1], [0, 0, 1, 1], [], []>, transpose_lhs_hint = false} : vector<32x8xf32>, vector<8x1024xf32>, vector<32x1024xf32> -> vector<32x1024xf32>
    %get3A_6 = arith.constant 0 : index
    %get3A_7 = arith.constant 0 : index
    %get3A_8 = vector.load %arg3[%get3A_6, %get3A_7] : memref<32x1xf32, #tpu.memory_space<vmem>>, vector<32x1xf32>
    %add3A = vector.broadcast %get3A_8 : vector<32x1xf32> to vector<32x1024xf32>
    %add3A_9 = arith.addf %dot_general3A_5, %add3A : vector<32x1024xf32>
    %get3A_10 = arith.constant 0 : index
    %get3A_11 = arith.constant 0 : index
    %get3A_12 = vector.load %arg4[%get3A_10, %get3A_11] : memref<32x1xf32, #tpu.memory_space<vmem>>, vector<32x1xf32>
    %sub3A = vector.broadcast %get3A_12 : vector<32x1xf32> to vector<32x1024xf32>
    %sub3A_13 = arith.subf %add3A_9, %sub3A : vector<32x1024xf32>
    %get3A_14 = arith.constant 0 : index
    %get3A_15 = arith.constant 0 : index
    %get3A_16 = vector.load %arg5[%get3A_14, %get3A_15] : memref<32x1xf32, #tpu.memory_space<vmem>>, vector<32x1xf32>
    %add3A_17 = arith.constant 9.99999974E-6 : f32
    %add3A_18 = vector.broadcast %add3A_17 : f32 to vector<32x1xf32>
    %add3A_19 = arith.addf %get3A_16, %add3A_18 : vector<32x1xf32>
    %sqrt3A = math.sqrt %add3A_19 : vector<32x1xf32>
    %div3A = vector.broadcast %sqrt3A : vector<32x1xf32> to vector<32x1024xf32>
    %div3A_20 = arith.divf %sub3A_13, %div3A : vector<32x1024xf32>
    %get3A_21 = arith.constant 0 : index
    %get3A_22 = arith.constant 0 : index
    %get3A_23 = vector.load %arg6[%get3A_21, %get3A_22] : memref<32x1xf32, #tpu.memory_space<vmem>>, vector<32x1xf32>
    %mul3A = vector.broadcast %get3A_23 : vector<32x1xf32> to vector<32x1024xf32>
    %mul3A_24 = arith.mulf %div3A_20, %mul3A : vector<32x1024xf32>
    %get3A_25 = arith.constant 0 : index
    %get3A_26 = arith.constant 0 : index
    %get3A_27 = vector.load %arg7[%get3A_25, %get3A_26] : memref<32x1xf32, #tpu.memory_space<vmem>>, vector<32x1xf32>
    %add3A_28 = vector.broadcast %get3A_27 : vector<32x1xf32> to vector<32x1024xf32>
    %add3A_29 = arith.addf %mul3A_24, %add3A_28 : vector<32x1024xf32>
    %max3A = arith.constant 0.000000e+00 : f32
    %max3A_30 = vector.broadcast %max3A : f32 to vector<32x1024xf32>
    %max3A_31 = arith.maximumf %add3A_29, %max3A_30 : vector<32x1024xf32>
    %get3A_32 = arith.constant 0 : index
    %get3A_33 = arith.constant 0 : index
    %get3A_34 = vector.load %arg8[%get3A_32, %get3A_33] : memref<64x32xf32, #tpu.memory_space<vmem>>, vector<64x32xf32>
    %dot_general3A_35 = arith.constant dense<0.000000e+00> : vector<64x1024xf32>
    %dot_general3A_36 = tpu.matmul %get3A_34, %max3A_31, %dot_general3A_35 {dimension_numbers = #tpu.dot_dimension_numbers<[1], [0], [0], [1], [0, 0, 1, 1], [], []>, transpose_lhs_hint = false} : vector<64x32xf32>, vector<32x1024xf32>, vector<64x1024xf32> -> vector<64x1024xf32>
    %get3A_37 = arith.constant 0 : index
    %get3A_38 = arith.constant 0 : index
    %get3A_39 = vector.load %arg9[%get3A_37, %get3A_38] : memref<64x1xf32, #tpu.memory_space<vmem>>, vector<64x1xf32>
    %add3A_40 = vector.broadcast %get3A_39 : vector<64x1xf32> to vector<64x1024xf32>
    %add3A_41 = arith.addf %dot_general3A_36, %add3A_40 : vector<64x1024xf32>
    %get3A_42 = arith.constant 0 : index
    %get3A_43 = arith.constant 0 : index
    %get3A_44 = vector.load %arg10[%get3A_42, %get3A_43] : memref<64x1xf32, #tpu.memory_space<vmem>>, vector<64x1xf32>
    %sub3A_45 = vector.broadcast %get3A_44 : vector<64x1xf32> to vector<64x1024xf32>
    %sub3A_46 = arith.subf %add3A_41, %sub3A_45 : vector<64x1024xf32>
    %get3A_47 = arith.constant 0 : index
    %get3A_48 = arith.constant 0 : index
    %get3A_49 = vector.load %arg11[%get3A_47, %get3A_48] : memref<64x1xf32, #tpu.memory_space<vmem>>, vector<64x1xf32>
    %add3A_50 = arith.constant 9.99999974E-6 : f32
    %add3A_51 = vector.broadcast %add3A_50 : f32 to vector<64x1xf32>
    %add3A_52 = arith.addf %get3A_49, %add3A_51 : vector<64x1xf32>
    %sqrt3A_53 = math.sqrt %add3A_52 : vector<64x1xf32>
    %div3A_54 = vector.broadcast %sqrt3A_53 : vector<64x1xf32> to vector<64x1024xf32>
    %div3A_55 = arith.divf %sub3A_46, %div3A_54 : vector<64x1024xf32>
    %get3A_56 = arith.constant 0 : index
    %get3A_57 = arith.constant 0 : index
    %get3A_58 = vector.load %arg12[%get3A_56, %get3A_57] : memref<64x1xf32, #tpu.memory_space<vmem>>, vector<64x1xf32>
    %mul3A_59 = vector.broadcast %get3A_58 : vector<64x1xf32> to vector<64x1024xf32>
    %mul3A_60 = arith.mulf %div3A_55, %mul3A_59 : vector<64x1024xf32>
    %get3A_61 = arith.constant 0 : index
    %get3A_62 = arith.constant 0 : index
    %get3A_63 = vector.load %arg13[%get3A_61, %get3A_62] : memref<64x1xf32, #tpu.memory_space<vmem>>, vector<64x1xf32>
    %add3A_64 = vector.broadcast %get3A_63 : vector<64x1xf32> to vector<64x1024xf32>
    %add3A_65 = arith.addf %mul3A_60, %add3A_64 : vector<64x1024xf32>
    %max3A_66 = arith.constant 0.000000e+00 : f32
    %max3A_67 = vector.broadcast %max3A_66 : f32 to vector<64x1024xf32>
    %max3A_68 = arith.maximumf %add3A_65, %max3A_67 : vector<64x1024xf32>
    %get3A_69 = arith.constant 0 : index
    %get3A_70 = arith.constant 0 : index
    %get3A_71 = vector.load %arg14[%get3A_69, %get3A_70] : memref<256x64xf32, #tpu.memory_space<vmem>>, vector<256x64xf32>
    %dot_general3A_72 = arith.constant dense<0.000000e+00> : vector<256x1024xf32>
    %dot_general3A_73 = tpu.matmul %get3A_71, %max3A_68, %dot_general3A_72 {dimension_numbers = #tpu.dot_dimension_numbers<[1], [0], [0], [1], [0, 0, 1, 1], [], []>, transpose_lhs_hint = false} : vector<256x64xf32>, vector<64x1024xf32>, vector<256x1024xf32> -> vector<256x1024xf32>
    %get3A_74 = arith.constant 0 : index
    %get3A_75 = arith.constant 0 : index
    %get3A_76 = vector.load %arg15[%get3A_74, %get3A_75] : memref<256x1xf32, #tpu.memory_space<vmem>>, vector<256x1xf32>
    %add3A_77 = vector.broadcast %get3A_76 : vector<256x1xf32> to vector<256x1024xf32>
    %add3A_78 = arith.addf %dot_general3A_73, %add3A_77 : vector<256x1024xf32>
    %get3A_79 = arith.constant 0 : index
    %get3A_80 = arith.constant 0 : index
    %get3A_81 = vector.load %arg16[%get3A_79, %get3A_80] : memref<256x1xf32, #tpu.memory_space<vmem>>, vector<256x1xf32>
    %sub3A_82 = vector.broadcast %get3A_81 : vector<256x1xf32> to vector<256x1024xf32>
    %sub3A_83 = arith.subf %add3A_78, %sub3A_82 : vector<256x1024xf32>
    %get3A_84 = arith.constant 0 : index
    %get3A_85 = arith.constant 0 : index
    %get3A_86 = vector.load %arg17[%get3A_84, %get3A_85] : memref<256x1xf32, #tpu.memory_space<vmem>>, vector<256x1xf32>
    %add3A_87 = arith.constant 9.99999974E-6 : f32
    %add3A_88 = vector.broadcast %add3A_87 : f32 to vector<256x1xf32>
    %add3A_89 = arith.addf %get3A_86, %add3A_88 : vector<256x1xf32>
    %sqrt3A_90 = math.sqrt %add3A_89 : vector<256x1xf32>
    %div3A_91 = vector.broadcast %sqrt3A_90 : vector<256x1xf32> to vector<256x1024xf32>
    %div3A_92 = arith.divf %sub3A_83, %div3A_91 : vector<256x1024xf32>
    %get3A_93 = arith.constant 0 : index
    %get3A_94 = arith.constant 0 : index
    %get3A_95 = vector.load %arg18[%get3A_93, %get3A_94] : memref<256x1xf32, #tpu.memory_space<vmem>>, vector<256x1xf32>
    %mul3A_96 = vector.broadcast %get3A_95 : vector<256x1xf32> to vector<256x1024xf32>
    %mul3A_97 = arith.mulf %div3A_92, %mul3A_96 : vector<256x1024xf32>
    %get3A_98 = arith.constant 0 : index
    %get3A_99 = arith.constant 0 : index
    %get3A_100 = vector.load %arg19[%get3A_98, %get3A_99] : memref<256x1xf32, #tpu.memory_space<vmem>>, vector<256x1xf32>
    %add3A_101 = vector.broadcast %get3A_100 : vector<256x1xf32> to vector<256x1024xf32>
    %add3A_102 = arith.addf %mul3A_97, %add3A_101 : vector<256x1024xf32>
    %max3A_103 = arith.constant 0.000000e+00 : f32
    %max3A_104 = vector.broadcast %max3A_103 : f32 to vector<256x1024xf32>
    %max3A_105 = arith.maximumf %add3A_102, %max3A_104 : vector<256x1024xf32>
    %get3A_106 = arith.constant 0 : index
    %get3A_107 = arith.constant 0 : index
    %get3A_108 = vector.load %arg20[%get3A_106, %get3A_107] : memref<512x256xf32, #tpu.memory_space<vmem>>, vector<512x256xf32>
    %dot_general3A_109 = arith.constant dense<0.000000e+00> : vector<512x1024xf32>
    %dot_general3A_110 = tpu.matmul %get3A_108, %max3A_105, %dot_general3A_109 {dimension_numbers = #tpu.dot_dimension_numbers<[1], [0], [0], [1], [0, 0, 1, 1], [], []>, transpose_lhs_hint = false} : vector<512x256xf32>, vector<256x1024xf32>, vector<512x1024xf32> -> vector<512x1024xf32>
    %get3A_111 = arith.constant 0 : index
    %get3A_112 = arith.constant 0 : index
    %get3A_113 = vector.load %arg21[%get3A_111, %get3A_112] : memref<512x1xf32, #tpu.memory_space<vmem>>, vector<512x1xf32>
    %add3A_114 = vector.broadcast %get3A_113 : vector<512x1xf32> to vector<512x1024xf32>
    %add3A_115 = arith.addf %dot_general3A_110, %add3A_114 : vector<512x1024xf32>
    %logistic3A = arith.negf %add3A_115 : vector<512x1024xf32>
    %logistic3A_116 = math.exp %logistic3A : vector<512x1024xf32>
    %logistic3A_117 = arith.constant 1.000000e+00 : f32
    %logistic3A_118 = vector.broadcast %logistic3A_117 : f32 to vector<512x1024xf32>
    %logistic3A_119 = arith.addf %logistic3A_118, %logistic3A_116 : vector<512x1024xf32>
    %logistic3A_120 = arith.divf %logistic3A_118, %logistic3A_119 : vector<512x1024xf32>
    %broadcast_in_dim3A = vector.shape_cast %logistic3A_120 : vector<512x1024xf32> to vector<1x512x1024xf32>
    %swap3A = arith.constant 0 : index
    %swap3A_121 = arith.constant 0 : index
    %swap3A_122 = arith.constant 0 : index
    %swap3A_123 = vector.load %arg22[%swap3A, %swap3A_121, %swap3A_122] : memref<1x512x1024xf32, #tpu.memory_space<vmem>>, vector<1x512x1024xf32>
    tpu.vector_store %arg22[%swap3A, %swap3A_121, %swap3A_122], %broadcast_in_dim3A {strides = array<i32>} : memref<1x512x1024xf32, #tpu.memory_space<vmem>>, vector<1x512x1024xf32>,
    return
  }
  func.func @transform_0(%arg0: i32) -> (i32, i32) {
    %c0_i32 = arith.constant 0 : i32
    %c0_i32_0 = arith.constant 0 : i32
    return %c0_i32, %arg0 : i32, i32
  }
  func.func @transform_1(%arg0: i32) -> (i32, i32) {
    %c0_i32 = arith.constant 0 : i32
    %c0_i32_0 = arith.constant 0 : i32
    %c0_i32_1 = arith.constant 0 : i32
    return %c0_i32, %c0_i32_0 : i32, i32
  }
  func.func @transform_2(%arg0: i32) -> (i32, i32) {
    %c0_i32 = arith.constant 0 : i32
    %c0_i32_0 = arith.constant 0 : i32
    %c0_i32_1 = arith.constant 0 : i32
    return %c0_i32, %c0_i32_0 : i32, i32
  }
  func.func @transform_3(%arg0: i32) -> (i32, i32) {
    %c0_i32 = arith.constant 0 : i32
    %c0_i32_0 = arith.constant 0 : i32
    %c0_i32_1 = arith.constant 0 : i32
    return %c0_i32, %c0_i32_0 : i32, i32
  }
  func.func @transform_4(%arg0: i32) -> (i32, i32) {
    %c0_i32 = arith.constant 0 : i32
    %c0_i32_0 = arith.constant 0 : i32
    %c0_i32_1 = arith.constant 0 : i32
    return %c0_i32, %c0_i32_0 : i32, i32
  }
  func.func @transform_5(%arg0: i32) -> (i32, i32) {
    %c0_i32 = arith.constant 0 : i32
    %c0_i32_0 = arith.constant 0 : i32
    %c0_i32_1 = arith.constant 0 : i32
    return %c0_i32, %c0_i32_0 : i32, i32
  }
  func.func @transform_6(%arg0: i32) -> (i32, i32) {
    %c0_i32 = arith.constant 0 : i32
    %c0_i32_0 = arith.constant 0 : i32
    %c0_i32_1 = arith.constant 0 : i32
    return %c0_i32, %c0_i32_0 : i32, i32
  }
  func.func @transform_7(%arg0: i32) -> (i32, i32) {
    %c0_i32 = arith.constant 0 : i32
    %c0_i32_0 = arith.constant 0 : i32
    %c0_i32_1 = arith.constant 0 : i32
    return %c0_i32, %c0_i32_0 : i32, i32
  }
  func.func @transform_8(%arg0: i32) -> (i32, i32) {
    %c0_i32 = arith.constant 0 : i32
    %c0_i32_0 = arith.constant 0 : i32
    %c0_i32_1 = arith.constant 0 : i32
    return %c0_i32, %c0_i32_0 : i32, i32
  }
  func.func @transform_9(%arg0: i32) -> (i32, i32) {
    %c0_i32 = arith.constant 0 : i32
    %c0_i32_0 = arith.constant 0 : i32
    %c0_i32_1 = arith.constant 0 : i32
    return %c0_i32, %c0_i32_0 : i32, i32
  }
  func.func @transform_10(%arg0: i32) -> (i32, i32) {
    %c0_i32 = arith.constant 0 : i32
    %c0_i32_0 = arith.constant 0 : i32
    %c0_i32_1 = arith.constant 0 : i32
    return %c0_i32, %c0_i32_0 : i32, i32
  }
  func.func @transform_11(%arg0: i32) -> (i32, i32) {
    %c0_i32 = arith.constant 0 : i32
    %c0_i32_0 = arith.constant 0 : i32
    %c0_i32_1 = arith.constant 0 : i32
    return %c0_i32, %c0_i32_0 : i32, i32
  }
  func.func @transform_12(%arg0: i32) -> (i32, i32) {
    %c0_i32 = arith.constant 0 : i32
    %c0_i32_0 = arith.constant 0 : i32
    %c0_i32_1 = arith.constant 0 : i32
    return %c0_i32, %c0_i32_0 : i32, i32
  }
  func.func @transform_13(%arg0: i32) -> (i32, i32) {
    %c0_i32 = arith.constant 0 : i32
    %c0_i32_0 = arith.constant 0 : i32
    %c0_i32_1 = arith.constant 0 : i32
    return %c0_i32, %c0_i32_0 : i32, i32
  }
  func.func @transform_14(%arg0: i32) -> (i32, i32) {
    %c0_i32 = arith.constant 0 : i32
    %c0_i32_0 = arith.constant 0 : i32
    %c0_i32_1 = arith.constant 0 : i32
    return %c0_i32, %c0_i32_0 : i32, i32
  }
  func.func @transform_15(%arg0: i32) -> (i32, i32) {
    %c0_i32 = arith.constant 0 : i32
    %c0_i32_0 = arith.constant 0 : i32
    %c0_i32_1 = arith.constant 0 : i32
    return %c0_i32, %c0_i32_0 : i32, i32
  }
  func.func @transform_16(%arg0: i32) -> (i32, i32) {
    %c0_i32 = arith.constant 0 : i32
    %c0_i32_0 = arith.constant 0 : i32
    %c0_i32_1 = arith.constant 0 : i32
    return %c0_i32, %c0_i32_0 : i32, i32
  }
  func.func @transform_17(%arg0: i32) -> (i32, i32) {
    %c0_i32 = arith.constant 0 : i32
    %c0_i32_0 = arith.constant 0 : i32
    %c0_i32_1 = arith.constant 0 : i32
    return %c0_i32, %c0_i32_0 : i32, i32
  }
  func.func @transform_18(%arg0: i32) -> (i32, i32) {
    %c0_i32 = arith.constant 0 : i32
    %c0_i32_0 = arith.constant 0 : i32
    %c0_i32_1 = arith.constant 0 : i32
    return %c0_i32, %c0_i32_0 : i32, i32
  }
  func.func @transform_19(%arg0: i32) -> (i32, i32) {
    %c0_i32 = arith.constant 0 : i32
    %c0_i32_0 = arith.constant 0 : i32
    %c0_i32_1 = arith.constant 0 : i32
    return %c0_i32, %c0_i32_0 : i32, i32
  }
  func.func @transform_20(%arg0: i32) -> (i32, i32) {
    %c0_i32 = arith.constant 0 : i32
    %c0_i32_0 = arith.constant 0 : i32
    %c0_i32_1 = arith.constant 0 : i32
    return %c0_i32, %c0_i32_0 : i32, i32
  }
  func.func @transform_21(%arg0: i32) -> (i32, i32, i32) {
    %jit3A = arith.constant 8 : i32
    %div3A = arith.divsi %arg0, %jit3A : i32
    %sign3A = arith.constant 0 : i32
    %sign3A_0 = arith.cmpi sgt, %arg0, %sign3A : i32
    %sign3A_1 = arith.extui %sign3A_0 : i1 to i32
    %sign3A_2 = arith.constant 0 : i32
    %sign3A_3 = arith.cmpi slt, %arg0, %sign3A_2 : i32
    %sign3A_4 = arith.extui %sign3A_3 : i1 to i32
    %sign3A_5 = arith.subi %sign3A_1, %sign3A_4 : i32
    %sign3A_6 = arith.constant 0 : i32
    %sign3A_7 = arith.cmpi sgt, %jit3A, %sign3A_6 : i32
    %sign3A_8 = arith.extui %sign3A_7 : i1 to i32
    %sign3A_9 = arith.constant 0 : i32
    %sign3A_10 = arith.cmpi slt, %jit3A, %sign3A_9 : i32
    %sign3A_11 = arith.extui %sign3A_10 : i1 to i32
    %sign3A_12 = arith.subi %sign3A_8, %sign3A_11 : i32
    %ne3A = arith.cmpi ne, %sign3A_5, %sign3A_12 : i32
    %rem3A = arith.remsi %arg0, %jit3A : i32
    %ne3A_13 = arith.constant 0 : i32
    %ne3A_14 = arith.cmpi ne, %rem3A, %ne3A_13 : i32
    %and3A = arith.andi %ne3A, %ne3A_14 : i1
    %sub3A = arith.constant 1 : i32
    %sub3A_15 = arith.subi %div3A, %sub3A : i32
    %select_n3A = arith.select %and3A, %sub3A_15, %div3A : i32
    %jit3A_16 = arith.constant 8 : i32
    %eq3A = arith.constant 0 : i32
    %eq3A_17 = arith.cmpi eq, %jit3A_16, %eq3A : i32
    %jit3A_18 = arith.constant 1 : i32
    %select_n3A_19 = arith.select %eq3A_17, %jit3A_18, %jit3A_16 : i32
    %rem3A_20 = arith.remsi %arg0, %select_n3A_19 : i32
    %ne3A_21 = arith.constant 0 : i32
    %ne3A_22 = arith.cmpi ne, %rem3A_20, %ne3A_21 : i32
    %lt3A = arith.constant 0 : i32
    %lt3A_23 = arith.cmpi slt, %rem3A_20, %lt3A : i32
    %lt3A_24 = arith.constant 0 : i32
    %lt3A_25 = arith.cmpi slt, %select_n3A_19, %lt3A_24 : i32
    %ne3A_26 = arith.xori %lt3A_23, %lt3A_25 : i1
    %and3A_27 = arith.andi %ne3A_26, %ne3A_22 : i1
    %add3A = arith.addi %rem3A_20, %select_n3A_19 : i32
    %select_n3A_28 = arith.select %and3A_27, %add3A, %rem3A_20 : i32
    %c0_i32 = arith.constant 0 : i32
    %c0_i32_29 = arith.constant 0 : i32
    return %select_n3A, %c0_i32, %select_n3A_28 : i32, i32, i32
  }
}

module attributes {stable_mosaic.version = 14 : i64} {
  func.func @_topk_body(%arg0: i32, %arg1: memref<8x8192xf32, #tpu.memory_space<vmem>>, %arg2: memref<8x64xi32, #tpu.memory_space<vmem>>, %arg3: memref<8x8192xf32, #tpu.memory_space<vmem>>) attributes {dimension_semantics = [#tpu.dimension_semantics<arbitrary>], iteration_bounds = array<i64: 512>, scalar_prefetch = 0 : i64, scratch_operands = 1 : i64, tpu.core_type = #tpu.core_type<tc>, window_params = [{transform_indices = @transform_0, window_bounds = array<i64: 8, 8192>}, {transform_indices = @transform_1, window_bounds = array<i64: 8, 64>}]} {
    %mul3A = arith.constant 8 : i32
    %mul3A_0 = arith.muli %arg0, %mul3A : i32
    %jit3A = arith.constant 512 : i32
    %div3A = arith.divsi %mul3A_0, %jit3A : i32
    %sign3A = arith.constant 0 : i32
    %sign3A_1 = arith.cmpi sgt, %mul3A_0, %sign3A : i32
    %sign3A_2 = arith.extui %sign3A_1 : i1 to i32
    %sign3A_3 = arith.constant 0 : i32
    %sign3A_4 = arith.cmpi slt, %mul3A_0, %sign3A_3 : i32
    %sign3A_5 = arith.extui %sign3A_4 : i1 to i32
    %sign3A_6 = arith.subi %sign3A_2, %sign3A_5 : i32
    %sign3A_7 = arith.constant 0 : i32
    %sign3A_8 = arith.cmpi sgt, %jit3A, %sign3A_7 : i32
    %sign3A_9 = arith.extui %sign3A_8 : i1 to i32
    %sign3A_10 = arith.constant 0 : i32
    %sign3A_11 = arith.cmpi slt, %jit3A, %sign3A_10 : i32
    %sign3A_12 = arith.extui %sign3A_11 : i1 to i32
    %sign3A_13 = arith.subi %sign3A_9, %sign3A_12 : i32
    %ne3A = arith.cmpi ne, %sign3A_6, %sign3A_13 : i32
    %rem3A = arith.remsi %mul3A_0, %jit3A : i32
    %ne3A_14 = arith.constant 0 : i32
    %ne3A_15 = arith.cmpi ne, %rem3A, %ne3A_14 : i32
    %and3A = arith.andi %ne3A, %ne3A_15 : i1
    %sub3A = arith.constant 1 : i32
    %sub3A_16 = arith.subi %div3A, %sub3A : i32
    %select_n3A = arith.select %and3A, %sub3A_16, %div3A : i32
    %get3A = arith.constant 0 : index
    %get3A_17 = arith.constant 0 : index
    %get3A_18 = vector.load %arg1[%get3A, %get3A_17] : memref<8x8192xf32, #tpu.memory_space<vmem>>, vector<8x8192xf32>
    %swap3A = arith.constant 0 : index
    %swap3A_19 = arith.constant 0 : index
    %swap3A_20 = vector.load %arg3[%swap3A, %swap3A_19] : memref<8x8192xf32, #tpu.memory_space<vmem>>, vector<8x8192xf32>
    tpu.vector_store %arg3[%swap3A, %swap3A_19], %get3A_18 {strides = array<i32>} : memref<8x8192xf32, #tpu.memory_space<vmem>>, vector<8x8192xf32>,
    %iota3A = tpu.iota {dimensions = array<i32: 1>} : vector<8x8192xi32>
    %iota3A_21 = tpu.iota {dimensions = array<i32: 1>} : vector<8x64xi32>
    %broadcast_in_dim3A = arith.constant 0 : i32
    %broadcast_in_dim3A_22 = vector.broadcast %broadcast_in_dim3A : i32 to vector<8x64xi32>
    %scan3A = arith.constant 0 : i32
    %scan3A_23 = arith.constant 64 : i32
    %scan3A_24 = arith.addi %scan3A, %scan3A_23 : i32
    %scan3A_25 = arith.constant 1 : i32
    %scan3A_26 = scf.for %scan3A_34 = %scan3A to %scan3A_24 step %scan3A_25 iter_args(%scan3A_35 = %broadcast_in_dim3A_22) -> (vector<8x64xi32>)  : i32 {
      %get3A_36 = arith.constant 0 : index
      %get3A_37 = arith.constant 0 : index
      %get3A_38 = vector.load %arg3[%get3A_36, %get3A_37] : memref<8x8192xf32, #tpu.memory_space<vmem>>, vector<8x8192xf32>
      %reduce_max3A = arith.constant dense<0xFF800000> : vector<8xf32>
      %reduce_max3A_39 = vector.multi_reduction <maximumf>, %get3A_38, %reduce_max3A [1] : vector<8x8192xf32> to vector<8xf32>
      %broadcast_in_dim3A_40 = vector.shape_cast %reduce_max3A_39 : vector<8xf32> to vector<8x1xf32>
      %eq3A = vector.broadcast %broadcast_in_dim3A_40 : vector<8x1xf32> to vector<8x8192xf32>
      %eq3A_41 = arith.cmpf oeq, %get3A_38, %eq3A : vector<8x8192xf32>
      %jit3A_42 = arith.constant 1073741824 : i32
      %broadcast_in_dim3A_43 = vector.broadcast %jit3A_42 : i32 to vector<8x8192xi32>
      %select_n3A_44 = arith.select %eq3A_41, %iota3A, %broadcast_in_dim3A_43 : vector<8x8192xi1>, vector<8x8192xi32>
      %reduce_min3A = arith.constant dense<2147483647> : vector<8xi32>
      %reduce_min3A_45 = vector.multi_reduction <minsi>, %select_n3A_44, %reduce_min3A [1] : vector<8x8192xi32> to vector<8xi32>
      %broadcast_in_dim3A_46 = vector.shape_cast %reduce_min3A_45 : vector<8xi32> to vector<8x1xi32>
      %eq3A_47 = vector.broadcast %broadcast_in_dim3A_46 : vector<8x1xi32> to vector<8x8192xi32>
      %eq3A_48 = arith.cmpi eq, %iota3A, %eq3A_47 : vector<8x8192xi32>
      %jit3A_49 = arith.constant -1.000000e+00 : f32
      %broadcast_in_dim3A_50 = vector.broadcast %jit3A_49 : f32 to vector<8x8192xf32>
      %select_n3A_51 = arith.select %eq3A_48, %broadcast_in_dim3A_50, %get3A_38 : vector<8x8192xi1>, vector<8x8192xf32>
      %swap3A_52 = arith.constant 0 : index
      %swap3A_53 = arith.constant 0 : index
      %swap3A_54 = vector.load %arg3[%swap3A_52, %swap3A_53] : memref<8x8192xf32, #tpu.memory_space<vmem>>, vector<8x8192xf32>
      tpu.vector_store %arg3[%swap3A_52, %swap3A_53], %select_n3A_51 {strides = array<i32>} : memref<8x8192xf32, #tpu.memory_space<vmem>>, vector<8x8192xf32>,
      %eq3A_55 = vector.broadcast %scan3A_34 : i32 to vector<8x64xi32>
      %eq3A_56 = arith.cmpi eq, %iota3A_21, %eq3A_55 : vector<8x64xi32>
      %broadcast_in_dim3A_57 = vector.shape_cast %broadcast_in_dim3A_46 : vector<8x1xi32> to vector<8x1xi32>
      %broadcast_in_dim3A_58 = vector.broadcast %broadcast_in_dim3A_57 : vector<8x1xi32> to vector<8x64xi32>
      %select_n3A_59 = arith.select %eq3A_56, %broadcast_in_dim3A_58, %scan3A_35 : vector<8x64xi1>, vector<8x64xi32>
      scf.yield %select_n3A_59 : vector<8x64xi32>
    }
    %scan3A_27 = arith.constant 64 : i32
    %mul3A_28 = arith.constant 8192 : i32
    %mul3A_29 = arith.muli %select_n3A, %mul3A_28 : i32
    %add3A = vector.broadcast %mul3A_29 : i32 to vector<8x64xi32>
    %add3A_30 = arith.addi %scan3A_26, %add3A : vector<8x64xi32>
    %swap3A_31 = arith.constant 0 : index
    %swap3A_32 = arith.constant 0 : index
    %swap3A_33 = vector.load %arg2[%swap3A_31, %swap3A_32] : memref<8x64xi32, #tpu.memory_space<vmem>>, vector<8x64xi32>
    tpu.vector_store %arg2[%swap3A_31, %swap3A_32], %add3A_30 {strides = array<i32>} : memref<8x64xi32, #tpu.memory_space<vmem>>, vector<8x64xi32>,
    return
  }
  func.func @transform_0(%arg0: i32) -> (i32, i32) {
    %c0_i32 = arith.constant 0 : i32
    %c0_i32_0 = arith.constant 0 : i32
    return %arg0, %c0_i32 : i32, i32
  }
  func.func @transform_1(%arg0: i32) -> (i32, i32) {
    %c0_i32 = arith.constant 0 : i32
    %c0_i32_0 = arith.constant 0 : i32
    return %arg0, %c0_i32 : i32, i32
  }
}

</mosaic_0001>

<sc_bundles>
// kernel: kernel.8.cloned.1.call-start
scs
__scs_entry_jumppad:
0x0: {  	(pc) =	sbr.rel $0x88, $3  }
0x1: {  	(tag) =	ssettag $0x0;
	lr =	simm.s32 $0x1  }
0x2: {  	[smem:$0x3F91] =	sst lr;
	_ =	strace $0xD0000000  }
0x3: {  	_ = 	snop  }
0x4: {  	_ = 	snop  }
0x5: {  	_ = 	snop  }
0x6: {  	_ = 	snop  }
0x7: {  	_ = 	snop  }
__scs_overlays_trampoline_lowered:
0x8: {  	[smem:$0x3FA0] =	sst s0  }
0x9: {  	[smem:$0x3FA1] =	sst s1  }
0xa: {  	[smem:$0x3FA2] =	sst s2  }
0xb: {  	[smem:$0x3FA3] =	sst s3  }
0xc: {  	[smem:$0x3FA4] =	sst s4  }
0xd: {  	[smem:$0x3FA5] =	sst s5  }
0xe: {  	[smem:$0x3FA6] =	sst s6  }
0xf: {  	[smem:$0x3FA7] =	sst s7  }
0x10: {  	[smem:$0x3FA8] =	sst s8  }
0x11: {  	[smem:$0x3FA9] =	sst s9;
	s0 =	simm.s32 @!p0 $0x0  }
0x12: {  	s1 =	sld [smem:$0x3F8F];
	s0 =	simm.s32 @p0 $0x1  }
0x13: {  	[smem:$0x3FAA] =	sst s0;
	s0 =	simm.s32 @!p1 $0x0  }
0x14: {  	s2 =	sld [smem:$0x3F8E];
	s0 =	simm.s32 @p1 $0x1  }
0x15: {  	[smem:$0x3FAB] =	sst s0;
	s0 =	simm.s32 @!p2 $0x0  }
0x16: {  	s3 =	sld [smem:$0x3FDB];
	s0 =	simm.s32 @p2 $0x1  }
0x17: {  	s4 =	simm.s32 $0x1BF5;
	[smem:$0x3FAD] =	sst s0  }
0x18: {  	s0 =	sld [smem:$0x3F90];
	_ =	swait.ge [sflag:s4], $0x0  }
0x19: {  	s7 =	sld [smem:$0x3F91]  }
0x1a: {  	s8 =	sadd.s32 $0xFFFFE003, lr  }
0x1b: {  	s9 =	sadd.s32 $0xFFFFFEF7, lr;
	s5 =	simm.s32 $0xFFFFFFFF;
	p2 =	slt.u32 s8, $0xFFFFF086  }
0x1c: {  	p1 =	slt.u32 s9, $0xF7A;
	s5 =	simm.s32 @!p2 $0x0  }
0x1d: {  	s5 =	simm.s32 @p1 $0x1;
	p0 =	seq.s32 s7, s2  }
0x1e: {  	s7 =	smul.u32 @!p0 $0xF7A, s2;
	p2 =	seq.s32 @!p0 s5, $0x0  }
0x1f: {  	s9 =	smul.u32 $0xF7A, s1;
	s8 =	simm.s32 @!p0 $0x1BF5;
	p2 =	por !p2, p0  }
0x20: {  	[sflag:s8] =	ssyncset.s32 @!p0 $0xFFFFF086;
	s6 =	sadd.s32 @!p0 s3, s7;
	s7 =	simm.s32 @!p0 $0x108  }
0x21: {  	s3 =	sadd.s32 s3, s9;
	s6 =	sadd.s32 @!p0 $0x88, s6;
	s7 =	simm.s32 @p2 $0x1082  }
0x22: {  	[simem:s7], [sflag:s8] =	dma.local @!p0 [hbm:s6], $0xF7A  }
0x23: {  	s9 =	sor.u32 $0xD0000000, s2;
	s6 =	simm.s32 $0x108;
	_ =	swait.ge @!p0 [sflag:s8], $0x0  }
0x24: {  	s3 =	sadd.s32 $0x88, s3;
	s6 =	simm.s32 @!p1 $0x1082;
	[sflag:s4] =	ssyncset.s32 $0xFFFFF086  }
0x25: {  	[simem:s6], [sflag:s4] =	dma.local [hbm:s3], $0xF7A  }
0x26: {  	[smem:$0x3F91] =	sst s1;
	(tag) =	ssettag s2;
	_ =	strace s9  }
0x27: {  	s1 =	sld [smem:$0x3FA1]  }
0x28: {  	s2 =	sld [smem:$0x3FA2]  }
0x29: {  	s4 =	sld [smem:$0x3FA4]  }
0x2a: {  	p0 =	seq.s32 s5, $0x0;
	s5 =	sld [smem:$0x3FA5]  }
0x2b: {  	s6 =	sld [smem:$0x3FA6]  }
0x2c: {  	s7 =	sld [smem:$0x3FA7]  }
0x2d: {  	s3 =	simm.s32 $0x108;
	s8 =	sld [smem:$0x3FA8]  }
0x2e: {  	s3 =	simm.s32 @!p0 $0x1082;
	s9 =	sld [smem:$0x3FA9]  }
0x2f: {  	lr =	sadd.s32 s0, s3;
	s0 =	sld [smem:$0x3FA0]  }
0x30: {  	s3 =	sld [smem:$0x3FA3]  }
0x31: {  	[smem:$0x3FAC] =	sst s10  }
0x32: {  	s10 =	sld [smem:$0x3FAA];
	_ =	sdelay $0x3  }
0x33: {  	p0 =	seq.s32 s10, $0x1;
	s10 =	sld [smem:$0x3FAC];
	_ =	sdelay $0x3  }
0x34: {  	[smem:$0x3FAC] =	sst s10  }
0x35: {  	s10 =	sld [smem:$0x3FAB];
	_ =	sdelay $0x3  }
0x36: {  	p1 =	seq.s32 s10, $0x1;
	s10 =	sld [smem:$0x3FAC];
	_ =	sdelay $0x3  }
0x37: {  	[smem:$0x3FAC] =	sst s10  }
0x38: {  	s10 =	sld [smem:$0x3FAD]  }
0x39: {  	_ = 	snop;
	(pc) =	sbr.ind lr, $3  }
0x3a: {  	_ = 	snop  }
0x3b: {  	_ = 	snop  }
0x3c: {  	p2 =	seq.s32 s10, $0x1;
	s10 =	sld [smem:$0x3FAC]  }
0x3d: {  	_ =	shalt  }
0x3e: {  	_ =	shalt  }
0x3f: {  	_ =	shalt  }
0x40: {  	_ =	shalt  }
0x41: {  	_ =	shalt  }
0x42: {  	_ =	shalt  }
0x43: {  	_ =	shalt  }
0x44: {  	_ =	shalt  }
0x45: {  	_ =	shalt  }
0x46: {  	_ =	shalt  }
0x47: {  	_ =	shalt  }
0x48: {  	_ =	shalt  }
0x49: {  	_ =	shalt  }
0x4a: {  	_ =	shalt  }
0x4b: {  	_ =	shalt  }
0x4c: {  	_ =	shalt  }
0x4d: {  	_ =	shalt  }
0x4e: {  	_ =	shalt  }
0x4f: {  	_ =	shalt  }
0x50: {  	_ =	shalt  }
0x51: {  	_ =	shalt  }
0x52: {  	_ =	shalt  }
0x53: {  	_ =	shalt  }
0x54: {  	_ =	shalt  }
0x55: {  	_ =	shalt  }
0x56: {  	_ =	shalt  }
0x57: {  	_ =	shalt  }
0x58: {  	_ =	shalt  }
0x59: {  	_ =	shalt  }
0x5a: {  	_ =	shalt  }
0x5b: {  	_ =	shalt  }
0x5c: {  	_ =	shalt  }
0x5d: {  	_ =	shalt  }
0x5e: {  	_ =	shalt  }
0x5f: {  	_ =	shalt  }
0x60: {  	_ =	shalt  }
0x61: {  	_ =	shalt  }
0x62: {  	_ =	shalt  }
0x63: {  	_ =	shalt  }
0x64: {  	_ =	shalt  }
0x65: {  	_ =	shalt  }
0x66: {  	_ =	shalt  }
0x67: {  	_ =	shalt  }
0x68: {  	_ =	shalt  }
0x69: {  	_ =	shalt  }
0x6a: {  	_ =	shalt  }
0x6b: {  	_ =	shalt  }
0x6c: {  	_ =	shalt  }
0x6d: {  	_ =	shalt  }
0x6e: {  	_ =	shalt  }
0x6f: {  	_ =	shalt  }
0x70: {  	_ =	shalt  }
0x71: {  	_ =	shalt  }
0x72: {  	_ =	shalt  }
0x73: {  	_ =	shalt  }
0x74: {  	_ =	shalt  }
0x75: {  	_ =	shalt  }
0x76: {  	_ =	shalt  }
0x77: {  	_ =	shalt  }
0x78: {  	_ =	shalt  }
0x79: {  	_ =	shalt  }
0x7a: {  	_ =	shalt  }
0x7b: {  	_ =	shalt  }
0x7c: {  	_ =	shalt  }
0x7d: {  	_ =	shalt  }
0x7e: {  	_ =	shalt  }
0x7f: {  	_ =	shalt  }
0x80: {  	_ =	shalt  }
0x81: {  	_ =	shalt  }
0x82: {  	_ =	shalt  }
0x83: {  	_ =	shalt  }
0x84: {  	_ =	shalt  }
0x85: {  	_ =	shalt  }
0x86: {  	_ =	shalt  }
0x87: {  	_ =	shalt  }
.Lfunc_end0:
.L_simem_size_0:
called_computation.1_lowered:
.L_overlay_start_0:
0x88: {  	s2 =	sld [smem:$0x3FD9]  }
0x89: {  	s3 =	sld [smem:$0x3FFE];
	_ =	sdelay $0x1  }
0x8a: {  	s1 =	srdreg.scid  }
0x8b: {  	s0 =	sand.u32 $0x1, s1  }
0x8c: {  	s14 =	sshll.u32 s0, $0xA;
	s2 =	sadd.s32 s3, s2  }
0x8d: {  	s2 =	sadd.s32 s2, s14  }
0x8e: {  	[smem:$0x3FB8] =	sst s2  }
0x8f: {  	_ = 	snop  }
0x90: {  	s2 =	sld [smem:$0x3FD0];
	_ =	sdelay $0x2  }
0x91: {  	s15 =	simm.s32 $0xA;
	s4 =	simm.s32 $0x10  }
0x92: {  	[smem:s4], [sflag:s15] =	dma.local [hbm:s2], $0x1  }
0x93: {  	_ =	swait.eq [sflag:s15], $0x1  }
0x94: {  	[sflag:s15] =	ssyncset.done $0x0  }
0x95: {  	[sflag:s15] =	ssyncadd.s32 $0xFFFFFFFF  }
0x96: {  	s16 =	sld [smem:$0x13];
	(tm) =	ssettm $0x1  }
0x97: {  	s17 =	sld [smem:$0x3FFB];
	_ =	sdelay $0x3  }
0x98: {  	_ =	strace s17  }
0x99: {  	s3 =	sld [smem:$0x3FFC];
	_ =	sdelay $0x3  }
0x9a: {  	_ =	strace s3  }
0x9b: {  	s3 =	sld [smem:$0x3FFD];
	_ =	sdelay $0x3  }
0x9c: {  	_ =	strace s3  }
0x9d: {  	_ =	strace $0x8FFFFFFF  }
0x9e: {  	s18 =	sld [smem:$0x3FDB];
	_ =	sdelay $0x1  }
0x9f: {  	s19 =	simm.s32 $_scs_section_size  }
0xa0: {  	s5 =	simm.s32 $_size__tile_overlayer_lowered;
	s6 =	simm.s32 $_tile_overlayer_lowered  }
0xa1: {  	s22 =	simm.s32 $0x1BFF;
	s21 =	sshll.u32 s6, $0x1;
	s3 =	sadd.s32 s19, s18  }
0xa2: {  	s7 =	simm.s32 $0x0;
	s20 =	sshll.u32 s5, $0x1;
	s5 =	sadd.s32 s21, s3  }
0xa3: {  	[timem:s7], [sflag:s22] =	dma.local [hbm:s5], s20  }
0xa4: {  	_ =	swait.ge [sflag:s22], s20  }
0xa5: {  	s4 =	ssub.s32 $0x0, s20;
	[sflag:s22] =	ssyncset.done $0x0  }
0xa6: {  	[sflag:s22] =	ssyncadd.s32 s4;
	_ =	sdelay $0x1  }
0xa7: {  	s23 =	simm.s32 $0x1B8B  }
0xa8: {  	_ =	swait.ge [sflag:s23], $0x1  }
0xa9: {  	[sflag:s23] =	ssyncset.done $0x0  }
0xaa: {  	s25 =	simm.s32 $0x1B8E;
	s24 =	sld [smem:$0x3FFE];
	[sflag:s23] =	ssyncadd.s32 $0xFFFFFFFF  }
0xab: {  	s26 =	simm.s32 $execute0_lowered;
	[smem:$0x3FD2] =	sst s25  }
0xac: {  	s5 =	sshll.u32 s26, $0x1;
	_ =	strace $0x80000046;
	[dreg:$0x1] =	wrdreg $0xFFFFFFFF  }
0xad: {  	s28 =	simm.s32 $_size_execute0_lowered;
	s3 =	sadd.s32 s3, s5;
	[dreg:$0x0] =	wrdreg $0x0  }
0xae: {  	s5 =	sshll.u32 s28, $0x1;
	[dreg:$0x2] =	wrdreg s3  }
0xaf: {  	[dreg:$0x3] =	wrdreg s5  }
0xb0: {  	[dreg:$0x4] =	wrdreg $0xC0  }
0xb1: {  	_ =	task [dreg:s7], $0x5FFFF  }
0xb2: {  	[dreg:$0x1] =	wrdreg $0xFFFFFFFF  }
0xb3: {  	[dreg:$0x0] =	wrdreg $0x60  }
0xb4: {  	[dreg:$0x2] =	wrdreg s24  }
0xb5: {  	[dreg:$0x3] =	wrdreg s16  }
0xb6: {  	[dreg:$0x4] =	wrdreg $0x9  }
0xb7: {  	_ =	task.clear_ibuf [dreg:s7], $0x5FFFF;
	_ =	strace $0x90000046  }
0xb8: {  	s29 =	simm.s32 $0x9;
	_ =	strace $0x80000048  }
0xb9: {  	_ =	swait.ge [sflag:s29], $0x1  }
0xba: {  	[sflag:s29] =	ssyncadd.s32 $0xFFFFFFFF  }
0xbb: {  	_ =	strace $0x90000048  }
0xbc: {  	_ =	sfence  }
0xbd: {  	s30 =	sld [smem:$0x0];
	_ =	sdelay $0x2  }
0xbe: {  	s31 =	sshll.u32 s1, $0xD;
	s1 =	sshrl.u32 s1, $0x2  }
0xbf: {  	s3 =	sand.u32 $0x4000, s31;
	s1 =	sadd.s32 s1, s30  }
0xc0: {  	s0 =	sor.u32 s3, s0;
	s1 =	sshll.u32 s1, $0x11  }
0xc1: {  	s0 =	sor.u32 s1, s0  }
0xc2: {  	s0 =	sadd.s32 $0x8F2B, s0  }
0xc3: {  	[sflag:s0] =	ssyncadd.remote.s32 $0x1  }
0xc4: {  	_ =	sfence.sel $0xFFFF  }
0xc5: {  	[dreg:$0x0] =	wrdreg $0xFFFFFFFF;
	(pc) =	sbr.abs _section_cstart, $3  }
0xc6: {  	[dreg:$0x1] =	wrdreg $0xFFFFFFFF  }
0xc7: {  	_ =	task.clear_ibuf [dreg:s7], $0x2FFFF;
	_ =	strace $0x9FFFFFFF  }
0xc8: {  	(tm) =	ssettm $0x7FFFFFFF  }
0xc9: {  	_ =	shalt  }
tec
execute0_lowered:
.L_overlay_start_1:
0x0: {  	(tag) =	ssettag $0x1  }
0x1: {  	s4 =	rddreg [dreg:$0x0]  }
0x2: {  	s6 =	rddreg [dreg:$0x1]  }
0x3: {  	s0 =	rddreg [dreg:$0x2];
	s2 =	simm.s32 $0x0;
	s1 =	stileid.u32  }
0x4: {  	s3 =	srdreg.scid;
	[smem:$0x7FF] =	sst s2  }
0x5: {  	s5 =	sshll.u32 s1, $0x12;
	s7 =	sand.u32 $0x1, s3;
	s3 =	sadd.s32 $0x3C00, s4  }
0x6: {  	s9 =	sshll.u32 s1, $0xE;
	_ =	strace $0x80000047;
	s5 =	sadd.s32 s5, s4  }
0x7: {  	s29 =	ssub.s32 $0x2, s7;
	s10 =	sshll.u32 s7, $0xD;
	s7 =	sshll.u32 s7, $0x11  }
0x8: {  	s8 =	sshrl.u32 s29, $0x1;
	s30 =	sor.u32 s10, s9;
	s5 =	sadd.s32 s7, s5  }
0x9: {  	s7 =	simm.s32 $0x2;
	s9 =	simm.s32 $0x1;
	s10 =	simm.s32 $0x0  }
0xa: {  	s4 =	ssub.s32 s29, s8;
	s31 =	sshrl.u32 s30, $0x3;
	s5 =	sadd.s32 $0x103C00, s5  }
0xb: {  	s8 =	simm.s32 $0x200;
	s4 =	smax.u32 s4, $0x1;
	s6 =	sadd.s32 s31, s6  }
.LBB2_1:
0xc: {  	s11 =	sadd.s32 $0x0, s6  }
0xd: {  	[tilespmem:s2], [sflag:$0x2] =	stream.linear.gather [hbm4b:s11+s2], $0x200, $0x38;
	[tilespmem:$0x10200] =	vst v63  }
0xe: {  	_ =	swait.ge [sflag:s7], $0x200  }
0xf: {  	[sflag:s7] =	ssyncset.done $0x0  }
0x10: {  	[sflag:s7] =	ssyncadd.s32 $0xFFFFFE00  }
0x11: {  	[tilespmem:s8], [sflag:$0x1] =	stream.indirect.gather [hbm4b:s3+s8], $0x80, s2, s8, $0xb8;
	[tilespmem:$0x10200] =	vst v63  }
0x12: {  	_ =	swait.ge [sflag:s9], $0x10000  }
0x13: {  	[sflag:s9] =	ssyncset.done $0x0  }
0x14: {  	[sflag:s9] =	ssyncadd.s32 $0xFFFF0000  }
0x15: {  	[hbm4b:s5+s2] =	stream.linear.scatter [tilespmem:s8], [sflag:$0x2], $0x10000, $0x38;
	[tilespmem:$0x10200] =	vst v63  }
0x16: {  	s12 =	simm.s32 $0x40;
	_ =	swait.ge [sflag:s7], $0x10000  }
0x17: {  	s13 =	simm.s32 $0x80;
	s11 =	sadd.s32 $0x2000, s5;
	[sflag:s7] =	ssyncset.done $0x0  }
.LBB2_2:
0x18: {  	s14 =	sadd.s32 s12, s6  }
0x19: {  	[sflag:s7] =	ssyncadd.s32 $0xFFFF0000;
	s12 =	smov.u32 s13;
	s15 =	sadd.s32 $0x40, s13  }
0x1a: {  	[tilespmem:s2], [sflag:$0x2] =	stream.linear.gather [hbm4b:s14+s2], $0x200, $0x38;
	[tilespmem:$0x10200] =	vst v63  }
0x1b: {  	p0 =	sne.s32 s13, $0x3C0;
	_ =	swait.ge [sflag:s7], $0x200  }
0x1c: {  	[sflag:s7] =	ssyncset.done $0x0  }
0x1d: {  	[sflag:s7] =	ssyncadd.s32 $0xFFFFFE00  }
0x1e: {  	[tilespmem:s8], [sflag:$0x1] =	stream.indirect.gather [hbm4b:s3+s8], $0x80, s2, s8, $0xb8;
	[tilespmem:$0x10200] =	vst v63  }
0x1f: {  	_ =	swait.ge [sflag:s9], $0x10000  }
.Ltmp0:
0x20: {  	[sflag:s9] =	ssyncset.done $0x0;
	(pc) =	sbr.rel @p0 .LBB2_2-.Ltmp0, $4  }
0x21: {  	[sflag:s9] =	ssyncadd.s32 $0xFFFF0000  }
0x22: {  	[hbm4b:s11+s2] =	stream.linear.scatter [tilespmem:s8], [sflag:$0x2], $0x10000, $0x38;
	[tilespmem:$0x10200] =	vst v63  }
0x23: {  	_ =	swait.ge [sflag:s7], $0x10000  }
0x24: {  	s13 =	smov.u32 s15;
	s11 =	sadd.s32 $0x2000, s11;
	[sflag:s7] =	ssyncset.done $0x0  }
0x25: {  	s12 =	sadd.s32 s12, s6;
	[sflag:s7] =	ssyncadd.s32 $0xFFFF0000  }
0x26: {  	[tilespmem:s2], [sflag:$0x2] =	stream.linear.gather [hbm4b:s12+s2], $0x200, $0x38;
	[tilespmem:$0x10200] =	vst v63  }
0x27: {  	_ =	swait.ge [sflag:s7], $0x200  }
0x28: {  	[sflag:s7] =	ssyncset.done $0x0  }
0x29: {  	[sflag:s7] =	ssyncadd.s32 $0xFFFFFE00  }
0x2a: {  	[tilespmem:s8], [sflag:$0x1] =	stream.indirect.gather [hbm4b:s3+s8], $0x80, s2, s8, $0xb8;
	[tilespmem:$0x10200] =	vst v63  }
0x2b: {  	s10 =	sadd.s32 $0x1, s10;
	_ =	swait.ge [sflag:s9], $0x10000  }
0x2c: {  	p0 =	sne.s32 s10, s4;
	[sflag:s9] =	ssyncset.done $0x0  }
.Ltmp1:
0x2d: {  	[sflag:s9] =	ssyncadd.s32 $0xFFFF0000;
	(pc) =	sbr.rel @p0 .LBB2_1-.Ltmp1, $4  }
0x2e: {  	[hbm4b:s11+s2] =	stream.linear.scatter [tilespmem:s8], [sflag:$0x2], $0x10000, $0x38;
	[tilespmem:$0x10200] =	vst v63  }
0x2f: {  	_ =	swait.ge [sflag:s7], $0x10000  }
0x30: {  	[sflag:s7] =	ssyncset.done $0x0  }
0x31: {  	[sflag:s7] =	ssyncadd.s32 $0xFFFF0000  }
0x32: {  	_ =	sfence.sel $0x180000  }
0x33: {  	[bflag:$0x0] =	sbarrier.arrive $0xFFFF  }
0x34: {  	p0 =	sne.s32 s1, $0x0;
	_ =	strace $0x90000047  }
0x35: {  	s0 =	sadd.s32 @!p0 $0x100000, s0;
	[bflag:$0x2] =	sbarrier.arrive $0xFFFF  }
0x36: {  	[sflag:s0] =	ssyncadd.tile.s32 @!p0 $0x1;
	_ =	shalt  }
.Lfunc_end2:
_tile_overlayer_lowered:
.L_overlay_start_2:
0x37: {  	(tag) =	ssettag $0x2  }
0x38: {  	s0 =	rddreg [dreg:$0x0];
	s2 =	stileid.u32  }
0x39: {  	s1 =	rddreg [dreg:$0x1];
	p0 =	sne.s32 s2, $0x0  }
0x3a: {  	s3 =	rddreg [dreg:$0x2];
	[bflag:$0x3] =	sbarrier.arrive $0xFFFF;
	s2 =	simm.s32 @!p0 $0x1C02  }
0x3b: {  	[timem:s3], [sflag:s2] =	dma.local @!p0 [hbm:s0], s1  }
0x3c: {  	s0 =	simm.s32 @!p0 $0x2  }
0x3d: {  	_ =	swait.ge @!p0 [sflag:s0], s1  }
0x3e: {  	s1 =	ssub.s32 @!p0 $0x0, s1;
	[sflag:s0] =	ssyncset.done @!p0 $0x0  }
0x3f: {  	[sflag:s0] =	ssyncadd.s32 @!p0 s1  }
0x40: {  	[bflag:$0x3] =	sbarrier.arrive $0xFFFF  }
0x41: {  	_ =	shalt  }

// kernel: sparse-core-data-format-call.cloned.1.call-start
scs
called_computation_lowered:
.L_overlay_start_0:
0x0: {  	s2 =	sld [smem:$0x3FD9]  }
0x1: {  	s3 =	sld [smem:$0x3FFE];
	_ =	sdelay $0x1  }
0x2: {  	s1 =	srdreg.scid  }
0x3: {  	s0 =	sand.u32 $0x1, s1  }
0x4: {  	s15 =	sshll.u32 s0, $0xA;
	s2 =	sadd.s32 s3, s2  }
0x5: {  	s2 =	sadd.s32 s2, s15  }
0x6: {  	[smem:$0x3FB8] =	sst s2  }
0x7: {  	_ = 	snop  }
0x8: {  	s2 =	sld [smem:$0x3FD0];
	_ =	sdelay $0x2  }
0x9: {  	s16 =	simm.s32 $0xA;
	s4 =	simm.s32 $0x10  }
0xa: {  	[smem:s4], [sflag:s16] =	dma.local [hbm:s2], $0x1  }
0xb: {  	_ =	swait.eq [sflag:s16], $0x1  }
0xc: {  	[sflag:s16] =	ssyncset.done $0x0  }
0xd: {  	[sflag:s16] =	ssyncadd.s32 $0xFFFFFFFF  }
0xe: {  	s17 =	sld [smem:$0x15];
	(tm) =	ssettm $0x1  }
0xf: {  	s18 =	sld [smem:$0x3FFB];
	_ =	sdelay $0x3  }
0x10: {  	_ =	strace s18  }
0x11: {  	s3 =	sld [smem:$0x3FFC];
	_ =	sdelay $0x3  }
0x12: {  	_ =	strace s3  }
0x13: {  	s3 =	sld [smem:$0x3FFD];
	_ =	sdelay $0x3  }
0x14: {  	_ =	strace s3  }
0x15: {  	_ =	strace $0x8FFFFFFF  }
0x16: {  	s19 =	sld [smem:$0x3FDB];
	_ =	sdelay $0x1  }
0x17: {  	s20 =	simm.s32 $_scs_section_size  }
0x18: {  	s5 =	simm.s32 $_size__tile_overlayer_lowered;
	s6 =	simm.s32 $_tile_overlayer_lowered  }
0x19: {  	s23 =	simm.s32 $0x1BFF;
	s22 =	sshll.u32 s6, $0x1;
	s3 =	sadd.s32 s20, s19  }
0x1a: {  	s7 =	simm.s32 $0x0;
	s21 =	sshll.u32 s5, $0x1;
	s5 =	sadd.s32 s22, s3  }
0x1b: {  	[timem:s7], [sflag:s23] =	dma.local [hbm:s5], s21  }
0x1c: {  	_ =	swait.ge [sflag:s23], s21  }
0x1d: {  	s4 =	ssub.s32 $0x0, s21;
	[sflag:s23] =	ssyncset.done $0x0  }
0x1e: {  	[sflag:s23] =	ssyncadd.s32 s4;
	_ =	sdelay $0x1  }
0x1f: {  	s24 =	simm.s32 $0x1B8B  }
0x20: {  	_ =	swait.ge [sflag:s24], $0x1  }
0x21: {  	[sflag:s24] =	ssyncset.done $0x0  }
0x22: {  	s26 =	simm.s32 $0x1B8E;
	s25 =	sld [smem:$0x3FFE];
	[sflag:s24] =	ssyncadd.s32 $0xFFFFFFFF  }
0x23: {  	s27 =	simm.s32 $execute0_lowered;
	[smem:$0x3FD2] =	sst s26  }
0x24: {  	s5 =	sshll.u32 s27, $0x1;
	_ =	strace $0x80000049;
	[dreg:$0x1] =	wrdreg $0xFFFFFFFF  }
0x25: {  	s28 =	simm.s32 $_size_execute0_lowered;
	s3 =	sadd.s32 s3, s5;
	[dreg:$0x0] =	wrdreg $0x0  }
0x26: {  	s5 =	sshll.u32 s28, $0x1;
	[dreg:$0x2] =	wrdreg s3  }
0x27: {  	[dreg:$0x3] =	wrdreg s5  }
0x28: {  	[dreg:$0x4] =	wrdreg $0xC0  }
0x29: {  	_ =	task [dreg:s7], $0x5FFFF  }
0x2a: {  	[dreg:$0x1] =	wrdreg $0xFFFFFFFF  }
0x2b: {  	[dreg:$0x0] =	wrdreg $0x60  }
0x2c: {  	[dreg:$0x2] =	wrdreg s25  }
0x2d: {  	[dreg:$0x3] =	wrdreg s17  }
0x2e: {  	[dreg:$0x4] =	wrdreg $0x9  }
0x2f: {  	_ =	task.clear_ibuf [dreg:s7], $0x5FFFF;
	_ =	strace $0x90000049  }
0x30: {  	s29 =	simm.s32 $0x9;
	_ =	strace $0x8000004B  }
0x31: {  	_ =	swait.ge [sflag:s29], $0x1  }
0x32: {  	[sflag:s29] =	ssyncadd.s32 $0xFFFFFFFF  }
0x33: {  	_ =	strace $0x9000004B  }
0x34: {  	_ =	sfence  }
0x35: {  	s30 =	sld [smem:$0x0];
	_ =	sdelay $0x2  }
0x36: {  	s31 =	sshll.u32 s1, $0xD;
	s1 =	sshrl.u32 s1, $0x2  }
0x37: {  	s3 =	sand.u32 $0x4000, s31;
	s1 =	sadd.s32 s1, s30  }
0x38: {  	s0 =	sor.u32 s3, s0;
	s1 =	sshll.u32 s1, $0x11  }
0x39: {  	s0 =	sor.u32 s1, s0  }
0x3a: {  	s0 =	sadd.s32 $0x8F2B, s0  }
0x3b: {  	[sflag:s0] =	ssyncadd.remote.s32 $0x1  }
0x3c: {  	_ =	sfence.sel $0xFFFF  }
0x3d: {  	[dreg:$0x0] =	wrdreg $0xFFFFFFFF;
	(pc) =	sbr.abs _section_cstart, $3  }
0x3e: {  	[dreg:$0x1] =	wrdreg $0xFFFFFFFF  }
0x3f: {  	_ =	task.clear_ibuf [dreg:s7], $0x2FFFF;
	_ =	strace $0x9FFFFFFF  }
0x40: {  	(tm) =	ssettm $0x7FFFFFFF  }
0x41: {  	_ =	shalt  }
tec
execute0_lowered:
.L_overlay_start_1:
0x0: {  	(tag) =	ssettag $0x1  }
0x1: {  	s0 =	stileid.u32;
	s4 =	rddreg [dreg:$0x0]  }
0x2: {  	s1 =	srdreg.scid;
	s3 =	rddreg [dreg:$0x1];
	s7 =	simm.s32 $0x1  }
0x3: {  	s31 =	simm.s32 $0x2;
	s2 =	sshll.u32 s0, $0x4;
	s1 =	sshll.u32 s1, $0x8  }
0x4: {  	s15 =	simm.s32 $0x0;
	s9 =	simm.s32 $0x1000;
	s1 =	sor.u32 s2, s1  }
0x5: {  	s14 =	simm.s32 $0x0;
	s16 =	simm.s32 $0x0;
	s2 =	sand.u32 $0x180, s1  }
0x6: {  	s10 =	simm.s32 $0x0;
	s13 =	simm.s32 $0x0;
	s5 =	ssub.s32 $0x200, s2  }
0x7: {  	s4 =	sadd.s32 $0x103C00, s4;
	s1 =	rddreg [dreg:$0x2];
	s6 =	sand.u32 $0x180, s5  }
.Ltmp0:
0x8: {  	_ =	strace $0x8000004A;
	p0 =	sne.s32 s6, $0x0;
	(pc) =	sbr.rel .LBB1_1-.Ltmp0, $4  }
0x9: {  	s11 =	smov.u32 s2;
	s8 =	sshrl.u32 s5, $0x9;
	s7 =	simm.s32 @!p0 $0x0  }
0xa: {  	s5 =	sand.u32 $0x7, s0;
	s6 =	simm.s32 $0x1;
	s7 =	sadd.s32 s7, s8  }
0xb: {  	s12 =	smov.u32 s5;
	[sflag:s6] =	ssyncpa.u1 $0x0;
	s7 =	sshll.u32 s7, $0x6  }
0xc: {  	p0 =	por $0x0, $0x0;
	[sflag:s31] =	ssyncpa.u1 $0x0;
	s8 =	sor.u32 $0x1, s7  }
.LBB1_4:
0xd: {  	s16 =	sshll.u32 s16, $0x12  }
0xe: {  	s19 =	sand.u32 $0xF80, s14;
	s15 =	sshll.u32 s15, $0xC;
	s16 =	sadd.s32 s3, s16  }
0xf: {  	[tilespmem:s18+$0x810 ss:$0x81] =	vst.msk $0xffff, v2;
	s20 =	sshrl.u32 s14, $0x3;
	s30 =	sand.u32 $0x7, s14;
	s16 =	sadd.s32 s19, s16  }
0x10: {  	[tilespmem:s18+$0x1020 ss:$0x81] =	vst.msk $0xffff, v0;
	s31 =	sand.u32 $0xF, s20;
	s14 =	sshll.u32 s30, $0x12;
	s15 =	sadd.s32 s15, s16  }
0x11: {  	[tilespmem:s18+$0x0 ss:$0x81] =	vst.msk $0xffff, v1;
	s14 =	sor.u32 $0x400, s14;
	s15 =	sadd.s32 s31, s15  }
0x12: {  	[hbm4b:s15+s14] =	stream.strided.scatter [tilespmem:s17], [sflag:$0x2], $0x2000, s9, s14, $0x20;
	[tilespmem:$0x8080] =	vst v63  }
.LBB1_5:
0x13: {  	s17 =	sadd.s32 $0x1, s10  }
0x14: {  	s14 =	sadd.s32 $0x200, s11;
	s18 =	smov.u32 s11;
	p2 =	sgt.s32 s17, $0x3F  }
0x15: {  	s18 =	smov.u32 @p2 s14  }
0x16: {  	s20 =	smov.u32 s12;
	s14 =	sadd.s32 $0x8, s12;
	p3 =	sgt.s32 s18, $0x1FF  }
0x17: {  	s20 =	smov.u32 @p3 s14  }
0x18: {  	s17 =	simm.s32 @p2 $0x0;
	p2 =	sgt.s32 s20, $0x7  }
0x19: {  	p1 =	slt.u32 s13, $0x2;
	s20 =	smov.u32 @p2 s5;
	p2 =	sne.s32 s13, s8  }
.Ltmp1:
0x1a: {  	s19 =	simm.s32 @!p1 $0x2;
	(pc) =	sbr.rel @!p2 .LBB1_6-.Ltmp1, $4  }
0x1b: {  	s15 =	smov.u32 s10;
	s16 =	smov.u32 s12;
	_ =	swait.ge @!p1 [sflag:s19], $0x2000  }
0x1c: {  	p0 =	por !p0, !p0;
	[sflag:s19] =	ssyncset.done @!p1 $0x0;
	s10 =	smov.u32 s17  }
0x1d: {  	s18 =	smov.u32 @p3 s2;
	s14 =	smov.u32 s11;
	[sflag:s19] =	ssyncadd.s32 @!p1 $0xFFFFE000  }
0x1e: {  	s11 =	smov.u32 s18;
	s13 =	sadd.s32 $0x1, s13;
	s12 =	smov.u32 s20  }
.LBB1_1:
0x1f: {  	p1 =	sge.u32 s13, s7;
	s31 =	sadd.s32 $0xFFFFFFFF, s13  }
0x20: {  	s17 =	sxor.u32 @!p1 $0xFFFFFFFF, s13;
	s18 =	sshll.u32 @!p1 s12, $0x13;
	s19 =	sshll.u32 @!p1 s11, $0xA  }
0x21: {  	s20 =	sshll.u32 @!p1 s10, $0x4;
	s17 =	sshll.u32 @!p1 s17, $0xD;
	s18 =	sadd.s32 @!p1 s4, s18  }
0x22: {  	s20 =	sand.u32 @!p1 $0x3F0, s20;
	s17 =	sand.u32 @!p1 $0x2000, s17;
	s18 =	sadd.s32 @!p1 s19, s18  }
0x23: {  	s19 =	simm.s32 @!p1 $0x40;
	s18 =	sadd.s32 @!p1 s20, s18;
	s20 =	simm.s32 @!p1 $0x2000  }
0x24: {  	[tilespmem:s17], [sflag:$0x1] =	stream.strided.gather @!p1 [hbm4b:s18+s19], $0x2000, s20, s19, $0x38;
	[tilespmem:$0x8080] =	vst v63  }
0x25: {  	p1 =	sge.u32 s31, s7  }
.Ltmp2:
0x26: {  	_ = 	snop;
	(pc) =	sbr.rel @p1 .LBB1_5-.Ltmp2, $1  }
0x27: {  	_ =	sdelay $0x3  }
0x28: {  	s17 =	simm.s32 $0x1  }
0x29: {  	_ =	swait.ge [sflag:s6], $0x2000;
	s17 =	simm.s32 @!p0 $0x0  }
0x2a: {  	[sflag:s6] =	ssyncset.done $0x0;
	s18 =	sshll.u32 s17, $0xD  }
0x2b: {  	[sflag:s6] =	ssyncadd.s32 $0xFFFFE000;
	s21 =	sor.u32 $0x20, s18  }
0x2c: {  	s17 =	smul.u32 $0x8100, s17;
	v3 =	vld [tilespmem:s21+$0x10]  }
0x2d: {  	s30 =	sand.u32 $0x1, s13;
	v2 =	vld [tilespmem:s21+$0xFFFFFFF0]  }
0x2e: {  	s18 =	smul.u32 $0x8100, s30;
	s17 =	sshrl.u32 s17, $0x2;
	v0 =	vld [tilespmem:s21+$0x0]  }
0x2f: {  	v1 =	vld [tilespmem:s21+$0xFFFFFFE0];
	s19 =	sor.u32 $0x4000, s17  }
0x30: {  	s31 =	sshrl.u32 s18, $0x2;
	s18 =	sadd.s32 $0x0, s19  }
0x31: {  	s20 =	simm.s32 $0x4;
	s21 =	sadd.s32 $0x40, s21;
	s17 =	sor.u32 $0x4000, s31;
	[tilespmem:s18+$0x1830 ss:$0x81] =	vst.msk $0xffff, v3  }
.LBB1_3:
0x32: {  	v3 =	vld [tilespmem:s21+$0x10];
	p1 =	sne.s32 s20, $0x1FC;
	[tilespmem:s18+$0x810 ss:$0x81] =	vst.msk $0xffff, v2;
	s22 =	smov.u32 s20;
	s20 =	sadd.s32 $0x4, s20  }
.Ltmp3:
0x33: {  	v2 =	vld [tilespmem:s21+$0xFFFFFFF0];
	[tilespmem:s18+$0x1020 ss:$0x81] =	vst.msk $0xffff, v0;
	(pc) =	sbr.rel @p1 .LBB1_3-.Ltmp3, $4  }
0x34: {  	v0 =	vld [tilespmem:s21+$0x0];
	[tilespmem:s18+$0x0 ss:$0x81] =	vst.msk $0xffff, v1  }
0x35: {  	s18 =	sshra.s32 s22, $0x2;
	v1 =	vld [tilespmem:s21+$0xFFFFFFE0]  }
0x36: {  	s18 =	sadd.s32 s18, s19  }
0x37: {  	s21 =	sadd.s32 $0x40, s21;
	[tilespmem:s18+$0x1830 ss:$0x81] =	vst.msk $0xffff, v3  }
.Ltmp4:
0x38: {  	_ = 	snop;
	(pc) =	sbr.rel .LBB1_4-.Ltmp4, $1  }
0x39: {  	_ =	sdelay $0x3  }
.LBB1_6:
0x3a: {  	_ =	sfence.sel $0x180000  }
0x3b: {  	s2 =	simm.s32 $0x1;
	[bflag:$0x0] =	sbarrier.arrive $0xFFFF  }
0x3c: {  	s31 =	simm.s32 $0x2;
	[sflag:s2] =	ssyncpa.u1 $0x1  }
0x3d: {  	[sflag:s31] =	ssyncpa.u1 $0x1  }
0x3e: {  	p0 =	sne.s32 s0, $0x0;
	_ =	strace $0x9000004A  }
0x3f: {  	s0 =	sadd.s32 @!p0 $0x100000, s1;
	[bflag:$0x2] =	sbarrier.arrive $0xFFFF  }
0x40: {  	[sflag:s0] =	ssyncadd.tile.s32 @!p0 $0x1;
	_ =	shalt  }
.Lfunc_end1:
_tile_overlayer_lowered:
.L_overlay_start_2:
0x41: {  	(tag) =	ssettag $0x2  }
0x42: {  	s0 =	rddreg [dreg:$0x0];
	s2 =	stileid.u32  }
0x43: {  	s1 =	rddreg [dreg:$0x1];
	p0 =	sne.s32 s2, $0x0  }
0x44: {  	s3 =	rddreg [dreg:$0x2];
	[bflag:$0x3] =	sbarrier.arrive $0xFFFF;
	s2 =	simm.s32 @!p0 $0x1C01  }
0x45: {  	[timem:s3], [sflag:s2] =	dma.local @!p0 [hbm:s0], s1  }
0x46: {  	s0 =	simm.s32 @!p0 $0x1  }
0x47: {  	_ =	swait.ge @!p0 [sflag:s0], s1  }
0x48: {  	s1 =	ssub.s32 @!p0 $0x0, s1;
	[sflag:s0] =	ssyncset.done @!p0 $0x0  }
0x49: {  	[sflag:s0] =	ssyncadd.s32 @!p0 s1  }
0x4a: {  	[bflag:$0x3] =	sbarrier.arrive $0xFFFF  }
0x4b: {  	_ =	shalt  }

</sc_bundles>
